<compile_context>
chip_gen: v7x
topology: tpu7x:2x2x1
jax: 0.10.2.dev20260603
libtpu: 0.0.44.dev20260713+nightly
codegen_flags: <defaults>
</compile_context>

<pallas_src>
import functools

import jax
import jax.numpy as jnp
from jax import lax
from jax.experimental import pallas as pl
from jax.experimental.pallas import tpu as pltpu
from jax.experimental.pallas import tpu_sc as plsc

_N = 21
_L = 16
_TPAD = 72
_SPAD = 448


def _const(v):
    return jnp.full((_L,), v, jnp.int32)


def _build_sim_table(t_v, s_v):
    lane = lax.iota(jnp.int32, 16)

    def pair_group(g, carry):
        p = g * _L + lane
        i3 = (p // _N) * 3
        j3 = (p % _N) * 3
        d2 = jnp.zeros((_L,), jnp.float32)
        for c in range(3):
            diff = (plsc.load_gather(t_v, [i3 + _const(c)])
                    - plsc.load_gather(t_v, [j3 + _const(c)]))
            d2 = d2 + diff * diff
        y = plsc.bitcast(jnp.int32(0x5F3759DF) - (plsc.bitcast(d2, jnp.int32) >> 1),
                         jnp.float32)
        for _ in range(3):
            y = y * (1.5 - 0.5 * d2 * y * y)
        d = jnp.where(d2 > 0.0, d2 * y, 0.0)
        s_v[pl.ds(g * _L, _L)] = jnp.exp(-10.0 * d) + 0.001
        return carry

    lax.fori_loop(0, _SPAD // _L, pair_group, 0)


def _sc_rank_body(g2_hbm, g8_hbm, t_hbm, out1_hbm, out2_hbm,
                  t_v, s_v, g2_v, g8_v, o1_v, o2_v, sem_in, bpw):
    wid = lax.axis_index("s") * 2 + lax.axis_index("c")
    base = wid * bpw
    pltpu.sync_copy(t_hbm, t_v)
    cp2 = pltpu.async_copy(g2_hbm.at[pl.ds(base * 3, bpw * 3)], g2_v, sem_in)
    cp8 = pltpu.async_copy(g8_hbm.at[pl.ds(base * 9, bpw * 9)], g8_v, sem_in)

    _build_sim_table(t_v, s_v)

    cp2.wait()
    cp8.wait()

    lane = lax.iota(jnp.int32, 16)

    def one_group(g):
            rows = g * _L + lane
            r9 = rows * 9
            q21 = plsc.load_gather(g8_v, [r9]) * _N
            s = []
            for k in range(8):
                r = plsc.load_gather(g8_v, [r9 + _const(k + 1)])
                s.append(plsc.load_gather(s_v, [q21 + r]))
            total = s[0]
            for k in range(1, 8):
                total = total + s[k]
            rtot = 1.0 / total
            r56 = rows * 56
            col = 0
            for i in range(8):
                w_i = s[i] * rtot / (total - s[i])
                for j in range(8):
                    if j == i:
                        continue
                    plsc.store_scatter(o2_v, [r56 + _const(col)], w_i * s[j])
                    col += 1
            r3 = rows * 3
            q21 = plsc.load_gather(g2_v, [r3]) * _N
            s1 = plsc.load_gather(s_v, [q21 + plsc.load_gather(g2_v, [r3 + _const(1)])])
            s2 = plsc.load_gather(s_v, [q21 + plsc.load_gather(g2_v, [r3 + _const(2)])])
            inv = 1.0 / (s1 + s2)
            r2 = rows * 2
            plsc.store_scatter(o1_v, [r2], s1 * inv)
            plsc.store_scatter(o1_v, [r2 + _const(1)], s2 * inv)

    def group_pair(gp, carry):
        one_group(gp * 2)
        one_group(gp * 2 + 1)
        return carry

    lax.fori_loop(0, bpw // _L // 2, group_pair, 0)

    pltpu.sync_copy(o1_v, out1_hbm.at[pl.ds(base * 2, bpw * 2)])
    pltpu.sync_copy(o2_v, out2_hbm.at[pl.ds(base * 56, bpw * 56)])


def kernel(given2rank1_stimulus_set, given8rank2_stimulus_set, percept_table):
    b = given2rank1_stimulus_set.shape[0]
    nw = 32
    bpw = b // nw
    assert b % (nw * _L) == 0

    t_flat = jnp.concatenate(
        [percept_table.reshape(_N * 3),
         jnp.zeros((_TPAD - _N * 3,), jnp.float32)])
    g2_flat = given2rank1_stimulus_set.reshape(b * 3)
    g8_flat = given8rank2_stimulus_set.reshape(b * 9)

    mesh = plsc.VectorSubcoreMesh(core_axis_name="c", subcore_axis_name="s")
    sc_call = pl.kernel(
        functools.partial(_sc_rank_body, bpw=bpw),
        out_type=(
            jax.ShapeDtypeStruct((b * 2,), jnp.float32),
            jax.ShapeDtypeStruct((b * 56,), jnp.float32),
        ),
        mesh=mesh,
        compiler_params=pltpu.CompilerParams(needs_layout_passes=False),
        scratch_types=[
            pltpu.VMEM((_TPAD,), jnp.float32),
            pltpu.VMEM((_SPAD,), jnp.float32),
            pltpu.VMEM((bpw * 3,), jnp.int32),
            pltpu.VMEM((bpw * 9,), jnp.int32),
            pltpu.VMEM((bpw * 2,), jnp.float32),
            pltpu.VMEM((bpw * 56,), jnp.float32),
            pltpu.SemaphoreType.DMA,
        ],
    )
    out1, out2 = sc_call(g2_flat, g8_flat, t_flat)
    return (out1.reshape(b, 2), out2.reshape(b, 56))

# --- scband reference (transcript-rebuilt; emitter-appended) ---
"""Pipeline reference for scband-multi-rank-model-a-39273180954757 (READ-ONLY COPY).

The authoritative reference and input builder live on the scoring server;
editing this copy changes nothing except your own understanding.
"""

import jax, jax.numpy as jnp
import numpy as np
import itertools


def _perms(n_ref, n_select):
    return np.array(list(itertools.permutations(range(n_ref), n_select)), dtype=np.int32)


def _exp_similarity(z_q, z_r):
    # Minkowski distance: rho=2.0, w=1.0 (Euclidean), then ExponentialSimilarity
    # beta=10.0, tau=1.0, gamma=0.001
    d = jnp.sqrt(jnp.sum(jnp.abs(z_q - z_r) ** 2.0, axis=-1))
    return jnp.exp(-10.0 * jnp.power(d, 1.0)) + 0.001


def _soft_rank(s, n_select):
    # Plackett-Luce probability over all ordered selections of n_select refs
    n_ref = s.shape[-1]
    outcomes = _perms(n_ref, n_select)  # [O, n_select]
    sel = s[:, outcomes]  # [B, O, n_select]
    total = jnp.sum(s, axis=-1)[:, None, None]  # [B, 1, 1]
    cum = jnp.cumsum(sel, axis=-1)
    prev = jnp.concatenate([jnp.zeros_like(cum[..., :1]), cum[..., :-1]], axis=-1)
    denom = total - prev
    return jnp.prod(sel / denom, axis=-1)  # [B, O]


def setup_inputs(seed: int = 0):
    key = jax.random.key(seed)
    k1, k2, k3 = jax.random.split(key, 3)
    B = 16384
    given2rank1_stimulus_set = jax.random.randint(k1, (B, 3), 0, 21, dtype=jnp.int32)
    given8rank2_stimulus_set = jax.random.randint(k2, (B, 9), 0, 21, dtype=jnp.int32)
    percept_table = 0.05 * jax.random.normal(k3, (21, 3), dtype=jnp.float32)
    return {
        "given2rank1_stimulus_set": given2rank1_stimulus_set,
        "given8rank2_stimulus_set": given8rank2_stimulus_set,
        "percept_table": percept_table,
    }


def reference(given2rank1_stimulus_set, given8rank2_stimulus_set, percept_table):
    # given2rank1 branch: 1 query + 2 references, select 1
    z = jnp.take(percept_table, given2rank1_stimulus_set, axis=0)  # [B, 3, 3]
    z_q, z_r = z[:, :1, :], z[:, 1:, :]
    s = _exp_similarity(z_q, z_r)  # [B, 2]
    prob_2rank1 = _soft_rank(s, 1)  # [B, 2]
    # given8rank2 branch: 1 query + 8 references, select 2 (ordered)
    z = jnp.take(percept_table, given8rank2_stimulus_set, axis=0)  # [B, 9, 3]
    z_q, z_r = z[:, :1, :], z[:, 1:, :]
    s = _exp_similarity(z_q, z_r)  # [B, 8]
    prob_8rank2 = _soft_rank(s, 2)  # [B, 56]
    return (prob_2rank1, prob_8rank2)

if __name__ == "__main__":
    import jax
    _d = setup_inputs()
    print(jax.jit(kernel)(*tuple(_d.values())))

</pallas_src>

<mosaic_0001>
#map = affine_map<(d0, d1) -> (0)>
module attributes {stable_mosaic.version = 14 : i64} {
  func.func @_sc_rank_body(%arg0: i32, %arg1: i32, %arg2: memref<49152xi32, #tpu.memory_space<hbm>>, %arg3: memref<147456xi32, #tpu.memory_space<hbm>>, %arg4: memref<72xf32, #tpu.memory_space<hbm>>, %arg5: memref<32768xf32, #tpu.memory_space<hbm>>, %arg6: memref<917504xf32, #tpu.memory_space<hbm>>, %arg7: memref<72xf32, #tpu.memory_space<vmem>>, %arg8: memref<448xf32, #tpu.memory_space<vmem>>, %arg9: memref<1536xi32, #tpu.memory_space<vmem>>, %arg10: memref<4608xi32, #tpu.memory_space<vmem>>, %arg11: memref<1024xf32, #tpu.memory_space<vmem>>, %arg12: memref<28672xf32, #tpu.memory_space<vmem>>, %arg13: memref<!tpu.dma_semaphore, #tpu.memory_space<semaphore_mem>>) attributes {dimension_semantics = [#tpu.dimension_semantics<core_parallel>, #tpu.dimension_semantics<subcore_parallel>], iteration_bounds = array<i64: 2, 16>, scalar_prefetch = 0 : i64, scratch_operands = 7 : i64, tpu.core_type = #tpu.core_type<sc_vector_subcore>, window_params = [{transform_indices = #map}, {transform_indices = #map}, {transform_indices = #map}, {transform_indices = #map}, {transform_indices = #map}]} {
    %mul3A = arith.constant 2 : i32
    %mul3A_0 = arith.muli %arg1, %mul3A : i32
    %add3A = arith.addi %mul3A_0, %arg0 : i32
    %mul3A_1 = arith.constant 512 : i32
    %mul3A_2 = arith.muli %add3A, %mul3A_1 : i32
    "tpu.region"() ({
      %run_scoped3A = tpu.sem_alloc : memref<!tpu.dma_semaphore, #tpu.memory_space<semaphore_mem>>
      tpu.enqueue_dma source(%arg4 : memref<72xf32, #tpu.memory_space<hbm>>) target(%arg7 : memref<72xf32, #tpu.memory_space<vmem>>) target_semaphore(%run_scoped3A : memref<!tpu.dma_semaphore, #tpu.memory_space<semaphore_mem>>)
      tpu.wait_dma2 semaphore(%run_scoped3A : memref<!tpu.dma_semaphore, #tpu.memory_space<semaphore_mem>>) src(%arg4 : memref<72xf32, #tpu.memory_space<hbm>>) dst(%arg7 : memref<72xf32, #tpu.memory_space<vmem>>)
      tpu.yield
    }) : () -> ()
    %mul3A_3 = arith.constant 3 : i32
    %mul3A_4 = arith.muli %mul3A_2, %mul3A_3 : i32
    %dma_start3A = tpu.memref_slice %arg2[%mul3A_4] : memref<49152xi32, #tpu.memory_space<hbm>> -> memref<1536xi32, #tpu.memory_space<hbm>>
    %dma_start3A_5 = tpu.memref_slice %arg2[%mul3A_4] : memref<49152xi32, #tpu.memory_space<hbm>> -> memref<1536xi32, #tpu.memory_space<hbm>>
    tpu.enqueue_dma source(%dma_start3A_5 : memref<1536xi32, #tpu.memory_space<hbm>>) target(%arg9 : memref<1536xi32, #tpu.memory_space<vmem>>) target_semaphore(%arg13 : memref<!tpu.dma_semaphore, #tpu.memory_space<semaphore_mem>>)
    %mul3A_6 = arith.constant 9 : i32
    %mul3A_7 = arith.muli %mul3A_2, %mul3A_6 : i32
    %dma_start3A_8 = tpu.memref_slice %arg3[%mul3A_7] : memref<147456xi32, #tpu.memory_space<hbm>> -> memref<4608xi32, #tpu.memory_space<hbm>>
    %dma_start3A_9 = tpu.memref_slice %arg3[%mul3A_7] : memref<147456xi32, #tpu.memory_space<hbm>> -> memref<4608xi32, #tpu.memory_space<hbm>>
    tpu.enqueue_dma source(%dma_start3A_9 : memref<4608xi32, #tpu.memory_space<hbm>>) target(%arg10 : memref<4608xi32, #tpu.memory_space<vmem>>) target_semaphore(%arg13 : memref<!tpu.dma_semaphore, #tpu.memory_space<semaphore_mem>>)
    %iota3A = tpu.iota {dimensions = array<i32: 0>} : vector<16xi32>
    %scan3A = arith.constant 0 : i32
    %scan3A_10 = arith.constant 0 : i32
    %scan3A_11 = arith.constant 28 : i32
    %scan3A_12 = arith.addi %scan3A_10, %scan3A_11 : i32
    %scan3A_13 = arith.constant 1 : i32
    scf.for %scan3A_29 = %scan3A_10 to %scan3A_12 step %scan3A_13  : i32 {
      %mul3A_30 = arith.constant 16 : i32
      %mul3A_31 = arith.muli %scan3A_29, %mul3A_30 : i32
      %add3A_32 = vector.broadcast %mul3A_31 : i32 to vector<16xi32>
      %add3A_33 = arith.addi %add3A_32, %iota3A : vector<16xi32>
      %jit3A = arith.constant 21 : i32
      %div3A = vector.broadcast %jit3A : i32 to vector<16xi32>
      %div3A_34 = arith.divsi %add3A_33, %div3A : vector<16xi32>
      %sign3A = arith.constant 0 : i32
      %sign3A_35 = vector.broadcast %sign3A : i32 to vector<16xi32>
      %sign3A_36 = arith.cmpi sgt, %add3A_33, %sign3A_35 : vector<16xi32>
      %sign3A_37 = arith.extui %sign3A_36 : vector<16xi1> to vector<16xi32>
      %sign3A_38 = arith.constant 0 : i32
      %sign3A_39 = vector.broadcast %sign3A_38 : i32 to vector<16xi32>
      %sign3A_40 = arith.cmpi slt, %add3A_33, %sign3A_39 : vector<16xi32>
      %sign3A_41 = arith.extui %sign3A_40 : vector<16xi1> to vector<16xi32>
      %sign3A_42 = arith.subi %sign3A_37, %sign3A_41 : vector<16xi32>
      %sign3A_43 = arith.constant 0 : i32
      %sign3A_44 = arith.cmpi sgt, %jit3A, %sign3A_43 : i32
      %sign3A_45 = arith.extui %sign3A_44 : i1 to i32
      %sign3A_46 = arith.constant 0 : i32
      %sign3A_47 = arith.cmpi slt, %jit3A, %sign3A_46 : i32
      %sign3A_48 = arith.extui %sign3A_47 : i1 to i32
      %sign3A_49 = arith.subi %sign3A_45, %sign3A_48 : i32
      %ne3A = vector.broadcast %sign3A_49 : i32 to vector<16xi32>
      %ne3A_50 = arith.cmpi ne, %sign3A_42, %ne3A : vector<16xi32>
      %rem3A = vector.broadcast %jit3A : i32 to vector<16xi32>
      %rem3A_51 = arith.remsi %add3A_33, %rem3A : vector<16xi32>
      %ne3A_52 = arith.constant 0 : i32
      %ne3A_53 = vector.broadcast %ne3A_52 : i32 to vector<16xi32>
      %ne3A_54 = arith.cmpi ne, %rem3A_51, %ne3A_53 : vector<16xi32>
      %and3A = arith.andi %ne3A_50, %ne3A_54 : vector<16xi1>
      %sub3A = arith.constant 1 : i32
      %sub3A_55 = vector.broadcast %sub3A : i32 to vector<16xi32>
      %sub3A_56 = arith.subi %div3A_34, %sub3A_55 : vector<16xi32>
      %select_n3A = arith.select %and3A, %sub3A_56, %div3A_34 : vector<16xi1>, vector<16xi32>
      %mul3A_57 = arith.constant 3 : i32
      %mul3A_58 = vector.broadcast %mul3A_57 : i32 to vector<16xi32>
      %mul3A_59 = arith.muli %select_n3A, %mul3A_58 : vector<16xi32>
      %jit3A_60 = arith.constant 21 : i32
      %eq3A = arith.constant 0 : i32
      %eq3A_61 = arith.cmpi eq, %jit3A_60, %eq3A : i32
      %jit3A_62 = arith.constant 1 : i32
      %select_n3A_63 = arith.select %eq3A_61, %jit3A_62, %jit3A_60 : i32
      %rem3A_64 = vector.broadcast %select_n3A_63 : i32 to vector<16xi32>
      %rem3A_65 = arith.remsi %add3A_33, %rem3A_64 : vector<16xi32>
      %ne3A_66 = arith.constant 0 : i32
      %ne3A_67 = vector.broadcast %ne3A_66 : i32 to vector<16xi32>
      %ne3A_68 = arith.cmpi ne, %rem3A_65, %ne3A_67 : vector<16xi32>
      %lt3A = arith.constant 0 : i32
      %lt3A_69 = vector.broadcast %lt3A : i32 to vector<16xi32>
      %lt3A_70 = arith.cmpi slt, %rem3A_65, %lt3A_69 : vector<16xi32>
      %lt3A_71 = arith.constant 0 : i32
      %lt3A_72 = arith.cmpi slt, %select_n3A_63, %lt3A_71 : i32
      %ne3A_73 = vector.broadcast %lt3A_72 : i1 to vector<16xi1>
      %ne3A_74 = vector.broadcast %ne3A_73 : vector<16xi1> to vector<16xi1>
      %ne3A_75 = arith.xori %lt3A_70, %ne3A_74 : vector<16xi1>
      %and3A_76 = arith.andi %ne3A_75, %ne3A_68 : vector<16xi1>
      %add3A_77 = vector.broadcast %select_n3A_63 : i32 to vector<16xi32>
      %add3A_78 = arith.addi %rem3A_65, %add3A_77 : vector<16xi32>
      %select_n3A_79 = arith.select %and3A_76, %add3A_78, %rem3A_65 : vector<16xi1>, vector<16xi32>
      %mul3A_80 = arith.constant 3 : i32
      %mul3A_81 = vector.broadcast %mul3A_80 : i32 to vector<16xi32>
      %mul3A_82 = arith.muli %select_n3A_79, %mul3A_81 : vector<16xi32>
      %broadcast_in_dim3A = arith.constant 0.000000e+00 : f32
      %broadcast_in_dim3A_83 = vector.broadcast %broadcast_in_dim3A : f32 to vector<16xf32>
      %broadcast_in_dim3A_84 = arith.constant 0 : i32
      %broadcast_in_dim3A_85 = vector.broadcast %broadcast_in_dim3A_84 : i32 to vector<16xi32>
      %add3A_86 = arith.addi %mul3A_59, %broadcast_in_dim3A_85 : vector<16xi32>
      %gather3A = tpu.vector_load_idx %arg7[%add3A_86] : memref<72xf32, #tpu.memory_space<vmem>>[vector<16xi32>], vector<16xf32>,
      %broadcast_in_dim3A_87 = arith.constant 0 : i32
      %broadcast_in_dim3A_88 = vector.broadcast %broadcast_in_dim3A_87 : i32 to vector<16xi32>
      %add3A_89 = arith.addi %mul3A_82, %broadcast_in_dim3A_88 : vector<16xi32>
      %gather3A_90 = tpu.vector_load_idx %arg7[%add3A_89] : memref<72xf32, #tpu.memory_space<vmem>>[vector<16xi32>], vector<16xf32>,
      %sub3A_91 = arith.subf %gather3A, %gather3A_90 : vector<16xf32>
      %mul3A_92 = arith.mulf %sub3A_91, %sub3A_91 : vector<16xf32>
      %add3A_93 = arith.addf %broadcast_in_dim3A_83, %mul3A_92 : vector<16xf32>
      %broadcast_in_dim3A_94 = arith.constant 1 : i32
      %broadcast_in_dim3A_95 = vector.broadcast %broadcast_in_dim3A_94 : i32 to vector<16xi32>
      %add3A_96 = arith.addi %mul3A_59, %broadcast_in_dim3A_95 : vector<16xi32>
      %gather3A_97 = tpu.vector_load_idx %arg7[%add3A_96] : memref<72xf32, #tpu.memory_space<vmem>>[vector<16xi32>], vector<16xf32>,
      %broadcast_in_dim3A_98 = arith.constant 1 : i32
      %broadcast_in_dim3A_99 = vector.broadcast %broadcast_in_dim3A_98 : i32 to vector<16xi32>
      %add3A_100 = arith.addi %mul3A_82, %broadcast_in_dim3A_99 : vector<16xi32>
      %gather3A_101 = tpu.vector_load_idx %arg7[%add3A_100] : memref<72xf32, #tpu.memory_space<vmem>>[vector<16xi32>], vector<16xf32>,
      %sub3A_102 = arith.subf %gather3A_97, %gather3A_101 : vector<16xf32>
      %mul3A_103 = arith.mulf %sub3A_102, %sub3A_102 : vector<16xf32>
      %add3A_104 = arith.addf %add3A_93, %mul3A_103 : vector<16xf32>
      %broadcast_in_dim3A_105 = arith.constant 2 : i32
      %broadcast_in_dim3A_106 = vector.broadcast %broadcast_in_dim3A_105 : i32 to vector<16xi32>
      %add3A_107 = arith.addi %mul3A_59, %broadcast_in_dim3A_106 : vector<16xi32>
      %gather3A_108 = tpu.vector_load_idx %arg7[%add3A_107] : memref<72xf32, #tpu.memory_space<vmem>>[vector<16xi32>], vector<16xf32>,
      %broadcast_in_dim3A_109 = arith.constant 2 : i32
      %broadcast_in_dim3A_110 = vector.broadcast %broadcast_in_dim3A_109 : i32 to vector<16xi32>
      %add3A_111 = arith.addi %mul3A_82, %broadcast_in_dim3A_110 : vector<16xi32>
      %gather3A_112 = tpu.vector_load_idx %arg7[%add3A_111] : memref<72xf32, #tpu.memory_space<vmem>>[vector<16xi32>], vector<16xf32>,
      %sub3A_113 = arith.subf %gather3A_108, %gather3A_112 : vector<16xf32>
      %mul3A_114 = arith.mulf %sub3A_113, %sub3A_113 : vector<16xf32>
      %add3A_115 = arith.addf %add3A_104, %mul3A_114 : vector<16xf32>
      %bitcast3A = vector.bitcast %add3A_115 : vector<16xf32> to vector<16xi32>
      %shift_right_arithmetic3A = arith.constant 1 : i32
      %shift_right_arithmetic3A_116 = vector.broadcast %shift_right_arithmetic3A : i32 to vector<16xi32>
      %shift_right_arithmetic3A_117 = arith.shrsi %bitcast3A, %shift_right_arithmetic3A_116 : vector<16xi32>
      %sub3A_118 = arith.constant 1597463007 : i32
      %sub3A_119 = vector.broadcast %sub3A_118 : i32 to vector<16xi32>
      %sub3A_120 = arith.subi %sub3A_119, %shift_right_arithmetic3A_117 : vector<16xi32>
      %bitcast3A_121 = vector.bitcast %sub3A_120 : vector<16xi32> to vector<16xf32>
      %mul3A_122 = arith.constant 5.000000e-01 : f32
      %mul3A_123 = vector.broadcast %mul3A_122 : f32 to vector<16xf32>
      %mul3A_124 = arith.mulf %mul3A_123, %add3A_115 : vector<16xf32>
      %mul3A_125 = arith.mulf %mul3A_124, %bitcast3A_121 : vector<16xf32>
      %mul3A_126 = arith.mulf %mul3A_125, %bitcast3A_121 : vector<16xf32>
      %sub3A_127 = arith.constant 1.500000e+00 : f32
      %sub3A_128 = vector.broadcast %sub3A_127 : f32 to vector<16xf32>
      %sub3A_129 = arith.subf %sub3A_128, %mul3A_126 : vector<16xf32>
      %mul3A_130 = arith.mulf %bitcast3A_121, %sub3A_129 : vector<16xf32>
      %mul3A_131 = arith.constant 5.000000e-01 : f32
      %mul3A_132 = vector.broadcast %mul3A_131 : f32 to vector<16xf32>
      %mul3A_133 = arith.mulf %mul3A_132, %add3A_115 : vector<16xf32>
      %mul3A_134 = arith.mulf %mul3A_133, %mul3A_130 : vector<16xf32>
      %mul3A_135 = arith.mulf %mul3A_134, %mul3A_130 : vector<16xf32>
      %sub3A_136 = arith.constant 1.500000e+00 : f32
      %sub3A_137 = vector.broadcast %sub3A_136 : f32 to vector<16xf32>
      %sub3A_138 = arith.subf %sub3A_137, %mul3A_135 : vector<16xf32>
      %mul3A_139 = arith.mulf %mul3A_130, %sub3A_138 : vector<16xf32>
      %mul3A_140 = arith.constant 5.000000e-01 : f32
      %mul3A_141 = vector.broadcast %mul3A_140 : f32 to vector<16xf32>
      %mul3A_142 = arith.mulf %mul3A_141, %add3A_115 : vector<16xf32>
      %mul3A_143 = arith.mulf %mul3A_142, %mul3A_139 : vector<16xf32>
      %mul3A_144 = arith.mulf %mul3A_143, %mul3A_139 : vector<16xf32>
      %sub3A_145 = arith.constant 1.500000e+00 : f32
      %sub3A_146 = vector.broadcast %sub3A_145 : f32 to vector<16xf32>
      %sub3A_147 = arith.subf %sub3A_146, %mul3A_144 : vector<16xf32>
      %mul3A_148 = arith.mulf %mul3A_139, %sub3A_147 : vector<16xf32>
      %gt3A = arith.constant 0.000000e+00 : f32
      %gt3A_149 = vector.broadcast %gt3A : f32 to vector<16xf32>
      %gt3A_150 = arith.cmpf ogt, %add3A_115, %gt3A_149 : vector<16xf32>
      %mul3A_151 = arith.mulf %add3A_115, %mul3A_148 : vector<16xf32>
      %jit3A_152 = arith.constant 0.000000e+00 : f32
      %broadcast_in_dim3A_153 = vector.broadcast %jit3A_152 : f32 to vector<16xf32>
      %select_n3A_154 = arith.select %gt3A_150, %mul3A_151, %broadcast_in_dim3A_153 : vector<16xi1>, vector<16xf32>
      %mul3A_155 = arith.constant -1.000000e+01 : f32
      %mul3A_156 = vector.broadcast %mul3A_155 : f32 to vector<16xf32>
      %mul3A_157 = arith.mulf %mul3A_156, %select_n3A_154 : vector<16xf32>
      %exp3A = math.exp %mul3A_157 : vector<16xf32>
      %add3A_158 = arith.constant 1.000000e-03 : f32
      %add3A_159 = vector.broadcast %add3A_158 : f32 to vector<16xf32>
      %add3A_160 = arith.addf %exp3A, %add3A_159 : vector<16xf32>
      %mul3A_161 = arith.constant 16 : i32
      %mul3A_162 = arith.muli %scan3A_29, %mul3A_161 : i32
      %swap3A = arith.index_cast %mul3A_162 : i32 to index
      %swap3A_163 = tpu.vector_load %arg8[%swap3A] {strides = array<i32>} : memref<448xf32, #tpu.memory_space<vmem>>, vector<16xf32>,
      tpu.vector_store %arg8[%swap3A], %add3A_160 {strides = array<i32>} : memref<448xf32, #tpu.memory_space<vmem>>, vector<16xf32>,
    }
    %scan3A_14 = arith.constant 28 : i32
    %dma_wait3A = tpu.memref_slice %arg2[%mul3A_4] : memref<49152xi32, #tpu.memory_space<hbm>> -> memref<1536xi32, #tpu.memory_space<hbm>>
    %dma_wait3A_15 = tpu.memref_slice %arg2[%mul3A_4] : memref<49152xi32, #tpu.memory_space<hbm>> -> memref<1536xi32, #tpu.memory_space<hbm>>
    tpu.wait_dma2 semaphore(%arg13 : memref<!tpu.dma_semaphore, #tpu.memory_space<semaphore_mem>>) src(%dma_wait3A_15 : memref<1536xi32, #tpu.memory_space<hbm>>) dst(%arg9 : memref<1536xi32, #tpu.memory_space<vmem>>)
    %dma_wait3A_16 = tpu.memref_slice %arg3[%mul3A_7] : memref<147456xi32, #tpu.memory_space<hbm>> -> memref<4608xi32, #tpu.memory_space<hbm>>
    %dma_wait3A_17 = tpu.memref_slice %arg3[%mul3A_7] : memref<147456xi32, #tpu.memory_space<hbm>> -> memref<4608xi32, #tpu.memory_space<hbm>>
    tpu.wait_dma2 semaphore(%arg13 : memref<!tpu.dma_semaphore, #tpu.memory_space<semaphore_mem>>) src(%dma_wait3A_17 : memref<4608xi32, #tpu.memory_space<hbm>>) dst(%arg10 : memref<4608xi32, #tpu.memory_space<vmem>>)
    %iota3A_18 = tpu.iota {dimensions = array<i32: 0>} : vector<16xi32>
    %scan3A_19 = arith.constant 0 : i32
    %scan3A_20 = arith.constant 0 : i32
    %scan3A_21 = arith.constant 16 : i32
    %scan3A_22 = arith.addi %scan3A_20, %scan3A_21 : i32
    %scan3A_23 = arith.constant 1 : i32
    scf.for %scan3A_29 = %scan3A_20 to %scan3A_22 step %scan3A_23  : i32 {
      %mul3A_30 = arith.constant 2 : i32
      %mul3A_31 = arith.muli %scan3A_29, %mul3A_30 : i32
      %mul3A_32 = arith.constant 16 : i32
      %mul3A_33 = arith.muli %mul3A_31, %mul3A_32 : i32
      %add3A_34 = vector.broadcast %mul3A_33 : i32 to vector<16xi32>
      %add3A_35 = arith.addi %add3A_34, %iota3A_18 : vector<16xi32>
      %mul3A_36 = arith.constant 9 : i32
      %mul3A_37 = vector.broadcast %mul3A_36 : i32 to vector<16xi32>
      %mul3A_38 = arith.muli %add3A_35, %mul3A_37 : vector<16xi32>
      %gather3A = tpu.vector_load_idx %arg10[%mul3A_38] : memref<4608xi32, #tpu.memory_space<vmem>>[vector<16xi32>], vector<16xi32>,
      %mul3A_39 = arith.constant 21 : i32
      %mul3A_40 = vector.broadcast %mul3A_39 : i32 to vector<16xi32>
      %mul3A_41 = arith.muli %gather3A, %mul3A_40 : vector<16xi32>
      %broadcast_in_dim3A = arith.constant 1 : i32
      %broadcast_in_dim3A_42 = vector.broadcast %broadcast_in_dim3A : i32 to vector<16xi32>
      %add3A_43 = arith.addi %mul3A_38, %broadcast_in_dim3A_42 : vector<16xi32>
      %gather3A_44 = tpu.vector_load_idx %arg10[%add3A_43] : memref<4608xi32, #tpu.memory_space<vmem>>[vector<16xi32>], vector<16xi32>,
      %add3A_45 = arith.addi %mul3A_41, %gather3A_44 : vector<16xi32>
      %gather3A_46 = tpu.vector_load_idx %arg8[%add3A_45] : memref<448xf32, #tpu.memory_space<vmem>>[vector<16xi32>], vector<16xf32>,
      %broadcast_in_dim3A_47 = arith.constant 2 : i32
      %broadcast_in_dim3A_48 = vector.broadcast %broadcast_in_dim3A_47 : i32 to vector<16xi32>
      %add3A_49 = arith.addi %mul3A_38, %broadcast_in_dim3A_48 : vector<16xi32>
      %gather3A_50 = tpu.vector_load_idx %arg10[%add3A_49] : memref<4608xi32, #tpu.memory_space<vmem>>[vector<16xi32>], vector<16xi32>,
      %add3A_51 = arith.addi %mul3A_41, %gather3A_50 : vector<16xi32>
      %gather3A_52 = tpu.vector_load_idx %arg8[%add3A_51] : memref<448xf32, #tpu.memory_space<vmem>>[vector<16xi32>], vector<16xf32>,
      %broadcast_in_dim3A_53 = arith.constant 3 : i32
      %broadcast_in_dim3A_54 = vector.broadcast %broadcast_in_dim3A_53 : i32 to vector<16xi32>
      %add3A_55 = arith.addi %mul3A_38, %broadcast_in_dim3A_54 : vector<16xi32>
      %gather3A_56 = tpu.vector_load_idx %arg10[%add3A_55] : memref<4608xi32, #tpu.memory_space<vmem>>[vector<16xi32>], vector<16xi32>,
      %add3A_57 = arith.addi %mul3A_41, %gather3A_56 : vector<16xi32>
      %gather3A_58 = tpu.vector_load_idx %arg8[%add3A_57] : memref<448xf32, #tpu.memory_space<vmem>>[vector<16xi32>], vector<16xf32>,
      %broadcast_in_dim3A_59 = arith.constant 4 : i32
      %broadcast_in_dim3A_60 = vector.broadcast %broadcast_in_dim3A_59 : i32 to vector<16xi32>
      %add3A_61 = arith.addi %mul3A_38, %broadcast_in_dim3A_60 : vector<16xi32>
      %gather3A_62 = tpu.vector_load_idx %arg10[%add3A_61] : memref<4608xi32, #tpu.memory_space<vmem>>[vector<16xi32>], vector<16xi32>,
      %add3A_63 = arith.addi %mul3A_41, %gather3A_62 : vector<16xi32>
      %gather3A_64 = tpu.vector_load_idx %arg8[%add3A_63] : memref<448xf32, #tpu.memory_space<vmem>>[vector<16xi32>], vector<16xf32>,
      %broadcast_in_dim3A_65 = arith.constant 5 : i32
      %broadcast_in_dim3A_66 = vector.broadcast %broadcast_in_dim3A_65 : i32 to vector<16xi32>
      %add3A_67 = arith.addi %mul3A_38, %broadcast_in_dim3A_66 : vector<16xi32>
      %gather3A_68 = tpu.vector_load_idx %arg10[%add3A_67] : memref<4608xi32, #tpu.memory_space<vmem>>[vector<16xi32>], vector<16xi32>,
      %add3A_69 = arith.addi %mul3A_41, %gather3A_68 : vector<16xi32>
      %gather3A_70 = tpu.vector_load_idx %arg8[%add3A_69] : memref<448xf32, #tpu.memory_space<vmem>>[vector<16xi32>], vector<16xf32>,
      %broadcast_in_dim3A_71 = arith.constant 6 : i32
      %broadcast_in_dim3A_72 = vector.broadcast %broadcast_in_dim3A_71 : i32 to vector<16xi32>
      %add3A_73 = arith.addi %mul3A_38, %broadcast_in_dim3A_72 : vector<16xi32>
      %gather3A_74 = tpu.vector_load_idx %arg10[%add3A_73] : memref<4608xi32, #tpu.memory_space<vmem>>[vector<16xi32>], vector<16xi32>,
      %add3A_75 = arith.addi %mul3A_41, %gather3A_74 : vector<16xi32>
      %gather3A_76 = tpu.vector_load_idx %arg8[%add3A_75] : memref<448xf32, #tpu.memory_space<vmem>>[vector<16xi32>], vector<16xf32>,
      %broadcast_in_dim3A_77 = arith.constant 7 : i32
      %broadcast_in_dim3A_78 = vector.broadcast %broadcast_in_dim3A_77 : i32 to vector<16xi32>
      %add3A_79 = arith.addi %mul3A_38, %broadcast_in_dim3A_78 : vector<16xi32>
      %gather3A_80 = tpu.vector_load_idx %arg10[%add3A_79] : memref<4608xi32, #tpu.memory_space<vmem>>[vector<16xi32>], vector<16xi32>,
      %add3A_81 = arith.addi %mul3A_41, %gather3A_80 : vector<16xi32>
      %gather3A_82 = tpu.vector_load_idx %arg8[%add3A_81] : memref<448xf32, #tpu.memory_space<vmem>>[vector<16xi32>], vector<16xf32>,
      %broadcast_in_dim3A_83 = arith.constant 8 : i32
      %broadcast_in_dim3A_84 = vector.broadcast %broadcast_in_dim3A_83 : i32 to vector<16xi32>
      %add3A_85 = arith.addi %mul3A_38, %broadcast_in_dim3A_84 : vector<16xi32>
      %gather3A_86 = tpu.vector_load_idx %arg10[%add3A_85] : memref<4608xi32, #tpu.memory_space<vmem>>[vector<16xi32>], vector<16xi32>,
      %add3A_87 = arith.addi %mul3A_41, %gather3A_86 : vector<16xi32>
      %gather3A_88 = tpu.vector_load_idx %arg8[%add3A_87] : memref<448xf32, #tpu.memory_space<vmem>>[vector<16xi32>], vector<16xf32>,
      %add3A_89 = arith.addf %gather3A_46, %gather3A_52 : vector<16xf32>
      %add3A_90 = arith.addf %add3A_89, %gather3A_58 : vector<16xf32>
      %add3A_91 = arith.addf %add3A_90, %gather3A_64 : vector<16xf32>
      %add3A_92 = arith.addf %add3A_91, %gather3A_70 : vector<16xf32>
      %add3A_93 = arith.addf %add3A_92, %gather3A_76 : vector<16xf32>
      %add3A_94 = arith.addf %add3A_93, %gather3A_82 : vector<16xf32>
      %add3A_95 = arith.addf %add3A_94, %gather3A_88 : vector<16xf32>
      %div3A = arith.constant 1.000000e+00 : f32
      %div3A_96 = vector.broadcast %div3A : f32 to vector<16xf32>
      %div3A_97 = arith.divf %div3A_96, %add3A_95 : vector<16xf32>
      %mul3A_98 = arith.constant 56 : i32
      %mul3A_99 = vector.broadcast %mul3A_98 : i32 to vector<16xi32>
      %mul3A_100 = arith.muli %add3A_35, %mul3A_99 : vector<16xi32>
      %mul3A_101 = arith.mulf %gather3A_46, %div3A_97 : vector<16xf32>
      %sub3A = arith.subf %add3A_95, %gather3A_46 : vector<16xf32>
      %div3A_102 = arith.divf %mul3A_101, %sub3A : vector<16xf32>
      %broadcast_in_dim3A_103 = arith.constant 0 : i32
      %broadcast_in_dim3A_104 = vector.broadcast %broadcast_in_dim3A_103 : i32 to vector<16xi32>
      %add3A_105 = arith.addi %mul3A_100, %broadcast_in_dim3A_104 : vector<16xi32>
      %mul3A_106 = arith.mulf %div3A_102, %gather3A_52 : vector<16xf32>
      tpu.vector_store_idx %arg12[%add3A_105], %mul3A_106 : memref<28672xf32, #tpu.memory_space<vmem>>[vector<16xi32>], vector<16xf32>,
      %broadcast_in_dim3A_107 = arith.constant 1 : i32
      %broadcast_in_dim3A_108 = vector.broadcast %broadcast_in_dim3A_107 : i32 to vector<16xi32>
      %add3A_109 = arith.addi %mul3A_100, %broadcast_in_dim3A_108 : vector<16xi32>
      %mul3A_110 = arith.mulf %div3A_102, %gather3A_58 : vector<16xf32>
      tpu.vector_store_idx %arg12[%add3A_109], %mul3A_110 : memref<28672xf32, #tpu.memory_space<vmem>>[vector<16xi32>], vector<16xf32>,
      %broadcast_in_dim3A_111 = arith.constant 2 : i32
      %broadcast_in_dim3A_112 = vector.broadcast %broadcast_in_dim3A_111 : i32 to vector<16xi32>
      %add3A_113 = arith.addi %mul3A_100, %broadcast_in_dim3A_112 : vector<16xi32>
      %mul3A_114 = arith.mulf %div3A_102, %gather3A_64 : vector<16xf32>
      tpu.vector_store_idx %arg12[%add3A_113], %mul3A_114 : memref<28672xf32, #tpu.memory_space<vmem>>[vector<16xi32>], vector<16xf32>,
      %broadcast_in_dim3A_115 = arith.constant 3 : i32
      %broadcast_in_dim3A_116 = vector.broadcast %broadcast_in_dim3A_115 : i32 to vector<16xi32>
      %add3A_117 = arith.addi %mul3A_100, %broadcast_in_dim3A_116 : vector<16xi32>
      %mul3A_118 = arith.mulf %div3A_102, %gather3A_70 : vector<16xf32>
      tpu.vector_store_idx %arg12[%add3A_117], %mul3A_118 : memref<28672xf32, #tpu.memory_space<vmem>>[vector<16xi32>], vector<16xf32>,
      %broadcast_in_dim3A_119 = arith.constant 4 : i32
      %broadcast_in_dim3A_120 = vector.broadcast %broadcast_in_dim3A_119 : i32 to vector<16xi32>
      %add3A_121 = arith.addi %mul3A_100, %broadcast_in_dim3A_120 : vector<16xi32>
      %mul3A_122 = arith.mulf %div3A_102, %gather3A_76 : vector<16xf32>
      tpu.vector_store_idx %arg12[%add3A_121], %mul3A_122 : memref<28672xf32, #tpu.memory_space<vmem>>[vector<16xi32>], vector<16xf32>,
      %broadcast_in_dim3A_123 = arith.constant 5 : i32
      %broadcast_in_dim3A_124 = vector.broadcast %broadcast_in_dim3A_123 : i32 to vector<16xi32>
      %add3A_125 = arith.addi %mul3A_100, %broadcast_in_dim3A_124 : vector<16xi32>
      %mul3A_126 = arith.mulf %div3A_102, %gather3A_82 : vector<16xf32>
      tpu.vector_store_idx %arg12[%add3A_125], %mul3A_126 : memref<28672xf32, #tpu.memory_space<vmem>>[vector<16xi32>], vector<16xf32>,
      %broadcast_in_dim3A_127 = arith.constant 6 : i32
      %broadcast_in_dim3A_128 = vector.broadcast %broadcast_in_dim3A_127 : i32 to vector<16xi32>
      %add3A_129 = arith.addi %mul3A_100, %broadcast_in_dim3A_128 : vector<16xi32>
      %mul3A_130 = arith.mulf %div3A_102, %gather3A_88 : vector<16xf32>
      tpu.vector_store_idx %arg12[%add3A_129], %mul3A_130 : memref<28672xf32, #tpu.memory_space<vmem>>[vector<16xi32>], vector<16xf32>,
      %mul3A_131 = arith.mulf %gather3A_52, %div3A_97 : vector<16xf32>
      %sub3A_132 = arith.subf %add3A_95, %gather3A_52 : vector<16xf32>
      %div3A_133 = arith.divf %mul3A_131, %sub3A_132 : vector<16xf32>
      %broadcast_in_dim3A_134 = arith.constant 7 : i32
      %broadcast_in_dim3A_135 = vector.broadcast %broadcast_in_dim3A_134 : i32 to vector<16xi32>
      %add3A_136 = arith.addi %mul3A_100, %broadcast_in_dim3A_135 : vector<16xi32>
      %mul3A_137 = arith.mulf %div3A_133, %gather3A_46 : vector<16xf32>
      tpu.vector_store_idx %arg12[%add3A_136], %mul3A_137 : memref<28672xf32, #tpu.memory_space<vmem>>[vector<16xi32>], vector<16xf32>,
      %broadcast_in_dim3A_138 = arith.constant 8 : i32
      %broadcast_in_dim3A_139 = vector.broadcast %broadcast_in_dim3A_138 : i32 to vector<16xi32>
      %add3A_140 = arith.addi %mul3A_100, %broadcast_in_dim3A_139 : vector<16xi32>
      %mul3A_141 = arith.mulf %div3A_133, %gather3A_58 : vector<16xf32>
      tpu.vector_store_idx %arg12[%add3A_140], %mul3A_141 : memref<28672xf32, #tpu.memory_space<vmem>>[vector<16xi32>], vector<16xf32>,
      %broadcast_in_dim3A_142 = arith.constant 9 : i32
      %broadcast_in_dim3A_143 = vector.broadcast %broadcast_in_dim3A_142 : i32 to vector<16xi32>
      %add3A_144 = arith.addi %mul3A_100, %broadcast_in_dim3A_143 : vector<16xi32>
      %mul3A_145 = arith.mulf %div3A_133, %gather3A_64 : vector<16xf32>
      tpu.vector_store_idx %arg12[%add3A_144], %mul3A_145 : memref<28672xf32, #tpu.memory_space<vmem>>[vector<16xi32>], vector<16xf32>,
      %broadcast_in_dim3A_146 = arith.constant 10 : i32
      %broadcast_in_dim3A_147 = vector.broadcast %broadcast_in_dim3A_146 : i32 to vector<16xi32>
      %add3A_148 = arith.addi %mul3A_100, %broadcast_in_dim3A_147 : vector<16xi32>
      %mul3A_149 = arith.mulf %div3A_133, %gather3A_70 : vector<16xf32>
      tpu.vector_store_idx %arg12[%add3A_148], %mul3A_149 : memref<28672xf32, #tpu.memory_space<vmem>>[vector<16xi32>], vector<16xf32>,
      %broadcast_in_dim3A_150 = arith.constant 11 : i32
      %broadcast_in_dim3A_151 = vector.broadcast %broadcast_in_dim3A_150 : i32 to vector<16xi32>
      %add3A_152 = arith.addi %mul3A_100, %broadcast_in_dim3A_151 : vector<16xi32>
      %mul3A_153 = arith.mulf %div3A_133, %gather3A_76 : vector<16xf32>
      tpu.vector_store_idx %arg12[%add3A_152], %mul3A_153 : memref<28672xf32, #tpu.memory_space<vmem>>[vector<16xi32>], vector<16xf32>,
      %broadcast_in_dim3A_154 = arith.constant 12 : i32
      %broadcast_in_dim3A_155 = vector.broadcast %broadcast_in_dim3A_154 : i32 to vector<16xi32>
      %add3A_156 = arith.addi %mul3A_100, %broadcast_in_dim3A_155 : vector<16xi32>
      %mul3A_157 = arith.mulf %div3A_133, %gather3A_82 : vector<16xf32>
      tpu.vector_store_idx %arg12[%add3A_156], %mul3A_157 : memref<28672xf32, #tpu.memory_space<vmem>>[vector<16xi32>], vector<16xf32>,
      %broadcast_in_dim3A_158 = arith.constant 13 : i32
      %broadcast_in_dim3A_159 = vector.broadcast %broadcast_in_dim3A_158 : i32 to vector<16xi32>
      %add3A_160 = arith.addi %mul3A_100, %broadcast_in_dim3A_159 : vector<16xi32>
      %mul3A_161 = arith.mulf %div3A_133, %gather3A_88 : vector<16xf32>
      tpu.vector_store_idx %arg12[%add3A_160], %mul3A_161 : memref<28672xf32, #tpu.memory_space<vmem>>[vector<16xi32>], vector<16xf32>,
      %mul3A_162 = arith.mulf %gather3A_58, %div3A_97 : vector<16xf32>
      %sub3A_163 = arith.subf %add3A_95, %gather3A_58 : vector<16xf32>
      %div3A_164 = arith.divf %mul3A_162, %sub3A_163 : vector<16xf32>
      %broadcast_in_dim3A_165 = arith.constant 14 : i32
      %broadcast_in_dim3A_166 = vector.broadcast %broadcast_in_dim3A_165 : i32 to vector<16xi32>
      %add3A_167 = arith.addi %mul3A_100, %broadcast_in_dim3A_166 : vector<16xi32>
      %mul3A_168 = arith.mulf %div3A_164, %gather3A_46 : vector<16xf32>
      tpu.vector_store_idx %arg12[%add3A_167], %mul3A_168 : memref<28672xf32, #tpu.memory_space<vmem>>[vector<16xi32>], vector<16xf32>,
      %broadcast_in_dim3A_169 = arith.constant 15 : i32
      %broadcast_in_dim3A_170 = vector.broadcast %broadcast_in_dim3A_169 : i32 to vector<16xi32>
      %add3A_171 = arith.addi %mul3A_100, %broadcast_in_dim3A_170 : vector<16xi32>
      %mul3A_172 = arith.mulf %div3A_164, %gather3A_52 : vector<16xf32>
      tpu.vector_store_idx %arg12[%add3A_171], %mul3A_172 : memref<28672xf32, #tpu.memory_space<vmem>>[vector<16xi32>], vector<16xf32>,
      %broadcast_in_dim3A_173 = arith.constant 16 : i32
      %broadcast_in_dim3A_174 = vector.broadcast %broadcast_in_dim3A_173 : i32 to vector<16xi32>
      %add3A_175 = arith.addi %mul3A_100, %broadcast_in_dim3A_174 : vector<16xi32>
      %mul3A_176 = arith.mulf %div3A_164, %gather3A_64 : vector<16xf32>
      tpu.vector_store_idx %arg12[%add3A_175], %mul3A_176 : memref<28672xf32, #tpu.memory_space<vmem>>[vector<16xi32>], vector<16xf32>,
      %broadcast_in_dim3A_177 = arith.constant 17 : i32
      %broadcast_in_dim3A_178 = vector.broadcast %broadcast_in_dim3A_177 : i32 to vector<16xi32>
      %add3A_179 = arith.addi %mul3A_100, %broadcast_in_dim3A_178 : vector<16xi32>
      %mul3A_180 = arith.mulf %div3A_164, %gather3A_70 : vector<16xf32>
      tpu.vector_store_idx %arg12[%add3A_179], %mul3A_180 : memref<28672xf32, #tpu.memory_space<vmem>>[vector<16xi32>], vector<16xf32>,
      %broadcast_in_dim3A_181 = arith.constant 18 : i32
      %broadcast_in_dim3A_182 = vector.broadcast %broadcast_in_dim3A_181 : i32 to vector<16xi32>
      %add3A_183 = arith.addi %mul3A_100, %broadcast_in_dim3A_182 : vector<16xi32>
      %mul3A_184 = arith.mulf %div3A_164, %gather3A_76 : vector<16xf32>
      tpu.vector_store_idx %arg12[%add3A_183], %mul3A_184 : memref<28672xf32, #tpu.memory_space<vmem>>[vector<16xi32>], vector<16xf32>,
      %broadcast_in_dim3A_185 = arith.constant 19 : i32
      %broadcast_in_dim3A_186 = vector.broadcast %broadcast_in_dim3A_185 : i32 to vector<16xi32>
      %add3A_187 = arith.addi %mul3A_100, %broadcast_in_dim3A_186 : vector<16xi32>
      %mul3A_188 = arith.mulf %div3A_164, %gather3A_82 : vector<16xf32>
      tpu.vector_store_idx %arg12[%add3A_187], %mul3A_188 : memref<28672xf32, #tpu.memory_space<vmem>>[vector<16xi32>], vector<16xf32>,
      %broadcast_in_dim3A_189 = arith.constant 20 : i32
      %broadcast_in_dim3A_190 = vector.broadcast %broadcast_in_dim3A_189 : i32 to vector<16xi32>
      %add3A_191 = arith.addi %mul3A_100, %broadcast_in_dim3A_190 : vector<16xi32>
      %mul3A_192 = arith.mulf %div3A_164, %gather3A_88 : vector<16xf32>
      tpu.vector_store_idx %arg12[%add3A_191], %mul3A_192 : memref<28672xf32, #tpu.memory_space<vmem>>[vector<16xi32>], vector<16xf32>,
      %mul3A_193 = arith.mulf %gather3A_64, %div3A_97 : vector<16xf32>
      %sub3A_194 = arith.subf %add3A_95, %gather3A_64 : vector<16xf32>
      %div3A_195 = arith.divf %mul3A_193, %sub3A_194 : vector<16xf32>
      %broadcast_in_dim3A_196 = arith.constant 21 : i32
      %broadcast_in_dim3A_197 = vector.broadcast %broadcast_in_dim3A_196 : i32 to vector<16xi32>
      %add3A_198 = arith.addi %mul3A_100, %broadcast_in_dim3A_197 : vector<16xi32>
      %mul3A_199 = arith.mulf %div3A_195, %gather3A_46 : vector<16xf32>
      tpu.vector_store_idx %arg12[%add3A_198], %mul3A_199 : memref<28672xf32, #tpu.memory_space<vmem>>[vector<16xi32>], vector<16xf32>,
      %broadcast_in_dim3A_200 = arith.constant 22 : i32
      %broadcast_in_dim3A_201 = vector.broadcast %broadcast_in_dim3A_200 : i32 to vector<16xi32>
      %add3A_202 = arith.addi %mul3A_100, %broadcast_in_dim3A_201 : vector<16xi32>
      %mul3A_203 = arith.mulf %div3A_195, %gather3A_52 : vector<16xf32>
      tpu.vector_store_idx %arg12[%add3A_202], %mul3A_203 : memref<28672xf32, #tpu.memory_space<vmem>>[vector<16xi32>], vector<16xf32>,
      %broadcast_in_dim3A_204 = arith.constant 23 : i32
      %broadcast_in_dim3A_205 = vector.broadcast %broadcast_in_dim3A_204 : i32 to vector<16xi32>
      %add3A_206 = arith.addi %mul3A_100, %broadcast_in_dim3A_205 : vector<16xi32>
      %mul3A_207 = arith.mulf %div3A_195, %gather3A_58 : vector<16xf32>
      tpu.vector_store_idx %arg12[%add3A_206], %mul3A_207 : memref<28672xf32, #tpu.memory_space<vmem>>[vector<16xi32>], vector<16xf32>,
      %broadcast_in_dim3A_208 = arith.constant 24 : i32
      %broadcast_in_dim3A_209 = vector.broadcast %broadcast_in_dim3A_208 : i32 to vector<16xi32>
      %add3A_210 = arith.addi %mul3A_100, %broadcast_in_dim3A_209 : vector<16xi32>
      %mul3A_211 = arith.mulf %div3A_195, %gather3A_70 : vector<16xf32>
      tpu.vector_store_idx %arg12[%add3A_210], %mul3A_211 : memref<28672xf32, #tpu.memory_space<vmem>>[vector<16xi32>], vector<16xf32>,
      %broadcast_in_dim3A_212 = arith.constant 25 : i32
      %broadcast_in_dim3A_213 = vector.broadcast %broadcast_in_dim3A_212 : i32 to vector<16xi32>
      %add3A_214 = arith.addi %mul3A_100, %broadcast_in_dim3A_213 : vector<16xi32>
      %mul3A_215 = arith.mulf %div3A_195, %gather3A_76 : vector<16xf32>
      tpu.vector_store_idx %arg12[%add3A_214], %mul3A_215 : memref<28672xf32, #tpu.memory_space<vmem>>[vector<16xi32>], vector<16xf32>,
      %broadcast_in_dim3A_216 = arith.constant 26 : i32
      %broadcast_in_dim3A_217 = vector.broadcast %broadcast_in_dim3A_216 : i32 to vector<16xi32>
      %add3A_218 = arith.addi %mul3A_100, %broadcast_in_dim3A_217 : vector<16xi32>
      %mul3A_219 = arith.mulf %div3A_195, %gather3A_82 : vector<16xf32>
      tpu.vector_store_idx %arg12[%add3A_218], %mul3A_219 : memref<28672xf32, #tpu.memory_space<vmem>>[vector<16xi32>], vector<16xf32>,
      %broadcast_in_dim3A_220 = arith.constant 27 : i32
      %broadcast_in_dim3A_221 = vector.broadcast %broadcast_in_dim3A_220 : i32 to vector<16xi32>
      %add3A_222 = arith.addi %mul3A_100, %broadcast_in_dim3A_221 : vector<16xi32>
      %mul3A_223 = arith.mulf %div3A_195, %gather3A_88 : vector<16xf32>
      tpu.vector_store_idx %arg12[%add3A_222], %mul3A_223 : memref<28672xf32, #tpu.memory_space<vmem>>[vector<16xi32>], vector<16xf32>,
      %mul3A_224 = arith.mulf %gather3A_70, %div3A_97 : vector<16xf32>
      %sub3A_225 = arith.subf %add3A_95, %gather3A_70 : vector<16xf32>
      %div3A_226 = arith.divf %mul3A_224, %sub3A_225 : vector<16xf32>
      %broadcast_in_dim3A_227 = arith.constant 28 : i32
      %broadcast_in_dim3A_228 = vector.broadcast %broadcast_in_dim3A_227 : i32 to vector<16xi32>
      %add3A_229 = arith.addi %mul3A_100, %broadcast_in_dim3A_228 : vector<16xi32>
      %mul3A_230 = arith.mulf %div3A_226, %gather3A_46 : vector<16xf32>
      tpu.vector_store_idx %arg12[%add3A_229], %mul3A_230 : memref<28672xf32, #tpu.memory_space<vmem>>[vector<16xi32>], vector<16xf32>,
      %broadcast_in_dim3A_231 = arith.constant 29 : i32
      %broadcast_in_dim3A_232 = vector.broadcast %broadcast_in_dim3A_231 : i32 to vector<16xi32>
      %add3A_233 = arith.addi %mul3A_100, %broadcast_in_dim3A_232 : vector<16xi32>
      %mul3A_234 = arith.mulf %div3A_226, %gather3A_52 : vector<16xf32>
      tpu.vector_store_idx %arg12[%add3A_233], %mul3A_234 : memref<28672xf32, #tpu.memory_space<vmem>>[vector<16xi32>], vector<16xf32>,
      %broadcast_in_dim3A_235 = arith.constant 30 : i32
      %broadcast_in_dim3A_236 = vector.broadcast %broadcast_in_dim3A_235 : i32 to vector<16xi32>
      %add3A_237 = arith.addi %mul3A_100, %broadcast_in_dim3A_236 : vector<16xi32>
      %mul3A_238 = arith.mulf %div3A_226, %gather3A_58 : vector<16xf32>
      tpu.vector_store_idx %arg12[%add3A_237], %mul3A_238 : memref<28672xf32, #tpu.memory_space<vmem>>[vector<16xi32>], vector<16xf32>,
      %broadcast_in_dim3A_239 = arith.constant 31 : i32
      %broadcast_in_dim3A_240 = vector.broadcast %broadcast_in_dim3A_239 : i32 to vector<16xi32>
      %add3A_241 = arith.addi %mul3A_100, %broadcast_in_dim3A_240 : vector<16xi32>
      %mul3A_242 = arith.mulf %div3A_226, %gather3A_64 : vector<16xf32>
      tpu.vector_store_idx %arg12[%add3A_241], %mul3A_242 : memref<28672xf32, #tpu.memory_space<vmem>>[vector<16xi32>], vector<16xf32>,
      %broadcast_in_dim3A_243 = arith.constant 32 : i32
      %broadcast_in_dim3A_244 = vector.broadcast %broadcast_in_dim3A_243 : i32 to vector<16xi32>
      %add3A_245 = arith.addi %mul3A_100, %broadcast_in_dim3A_244 : vector<16xi32>
      %mul3A_246 = arith.mulf %div3A_226, %gather3A_76 : vector<16xf32>
      tpu.vector_store_idx %arg12[%add3A_245], %mul3A_246 : memref<28672xf32, #tpu.memory_space<vmem>>[vector<16xi32>], vector<16xf32>,
      %broadcast_in_dim3A_247 = arith.constant 33 : i32
      %broadcast_in_dim3A_248 = vector.broadcast %broadcast_in_dim3A_247 : i32 to vector<16xi32>
      %add3A_249 = arith.addi %mul3A_100, %broadcast_in_dim3A_248 : vector<16xi32>
      %mul3A_250 = arith.mulf %div3A_226, %gather3A_82 : vector<16xf32>
      tpu.vector_store_idx %arg12[%add3A_249], %mul3A_250 : memref<28672xf32, #tpu.memory_space<vmem>>[vector<16xi32>], vector<16xf32>,
      %broadcast_in_dim3A_251 = arith.constant 34 : i32
      %broadcast_in_dim3A_252 = vector.broadcast %broadcast_in_dim3A_251 : i32 to vector<16xi32>
      %add3A_253 = arith.addi %mul3A_100, %broadcast_in_dim3A_252 : vector<16xi32>
      %mul3A_254 = arith.mulf %div3A_226, %gather3A_88 : vector<16xf32>
      tpu.vector_store_idx %arg12[%add3A_253], %mul3A_254 : memref<28672xf32, #tpu.memory_space<vmem>>[vector<16xi32>], vector<16xf32>,
      %mul3A_255 = arith.mulf %gather3A_76, %div3A_97 : vector<16xf32>
      %sub3A_256 = arith.subf %add3A_95, %gather3A_76 : vector<16xf32>
      %div3A_257 = arith.divf %mul3A_255, %sub3A_256 : vector<16xf32>
      %broadcast_in_dim3A_258 = arith.constant 35 : i32
      %broadcast_in_dim3A_259 = vector.broadcast %broadcast_in_dim3A_258 : i32 to vector<16xi32>
      %add3A_260 = arith.addi %mul3A_100, %broadcast_in_dim3A_259 : vector<16xi32>
      %mul3A_261 = arith.mulf %div3A_257, %gather3A_46 : vector<16xf32>
      tpu.vector_store_idx %arg12[%add3A_260], %mul3A_261 : memref<28672xf32, #tpu.memory_space<vmem>>[vector<16xi32>], vector<16xf32>,
      %broadcast_in_dim3A_262 = arith.constant 36 : i32
      %broadcast_in_dim3A_263 = vector.broadcast %broadcast_in_dim3A_262 : i32 to vector<16xi32>
      %add3A_264 = arith.addi %mul3A_100, %broadcast_in_dim3A_263 : vector<16xi32>
      %mul3A_265 = arith.mulf %div3A_257, %gather3A_52 : vector<16xf32>
      tpu.vector_store_idx %arg12[%add3A_264], %mul3A_265 : memref<28672xf32, #tpu.memory_space<vmem>>[vector<16xi32>], vector<16xf32>,
      %broadcast_in_dim3A_266 = arith.constant 37 : i32
      %broadcast_in_dim3A_267 = vector.broadcast %broadcast_in_dim3A_266 : i32 to vector<16xi32>
      %add3A_268 = arith.addi %mul3A_100, %broadcast_in_dim3A_267 : vector<16xi32>
      %mul3A_269 = arith.mulf %div3A_257, %gather3A_58 : vector<16xf32>
      tpu.vector_store_idx %arg12[%add3A_268], %mul3A_269 : memref<28672xf32, #tpu.memory_space<vmem>>[vector<16xi32>], vector<16xf32>,
      %broadcast_in_dim3A_270 = arith.constant 38 : i32
      %broadcast_in_dim3A_271 = vector.broadcast %broadcast_in_dim3A_270 : i32 to vector<16xi32>
      %add3A_272 = arith.addi %mul3A_100, %broadcast_in_dim3A_271 : vector<16xi32>
      %mul3A_273 = arith.mulf %div3A_257, %gather3A_64 : vector<16xf32>
      tpu.vector_store_idx %arg12[%add3A_272], %mul3A_273 : memref<28672xf32, #tpu.memory_space<vmem>>[vector<16xi32>], vector<16xf32>,
      %broadcast_in_dim3A_274 = arith.constant 39 : i32
      %broadcast_in_dim3A_275 = vector.broadcast %broadcast_in_dim3A_274 : i32 to vector<16xi32>
      %add3A_276 = arith.addi %mul3A_100, %broadcast_in_dim3A_275 : vector<16xi32>
      %mul3A_277 = arith.mulf %div3A_257, %gather3A_70 : vector<16xf32>
      tpu.vector_store_idx %arg12[%add3A_276], %mul3A_277 : memref<28672xf32, #tpu.memory_space<vmem>>[vector<16xi32>], vector<16xf32>,
      %broadcast_in_dim3A_278 = arith.constant 40 : i32
      %broadcast_in_dim3A_279 = vector.broadcast %broadcast_in_dim3A_278 : i32 to vector<16xi32>
      %add3A_280 = arith.addi %mul3A_100, %broadcast_in_dim3A_279 : vector<16xi32>
      %mul3A_281 = arith.mulf %div3A_257, %gather3A_82 : vector<16xf32>
      tpu.vector_store_idx %arg12[%add3A_280], %mul3A_281 : memref<28672xf32, #tpu.memory_space<vmem>>[vector<16xi32>], vector<16xf32>,
      %broadcast_in_dim3A_282 = arith.constant 41 : i32
      %broadcast_in_dim3A_283 = vector.broadcast %broadcast_in_dim3A_282 : i32 to vector<16xi32>
      %add3A_284 = arith.addi %mul3A_100, %broadcast_in_dim3A_283 : vector<16xi32>
      %mul3A_285 = arith.mulf %div3A_257, %gather3A_88 : vector<16xf32>
      tpu.vector_store_idx %arg12[%add3A_284], %mul3A_285 : memref<28672xf32, #tpu.memory_space<vmem>>[vector<16xi32>], vector<16xf32>,
      %mul3A_286 = arith.mulf %gather3A_82, %div3A_97 : vector<16xf32>
      %sub3A_287 = arith.subf %add3A_95, %gather3A_82 : vector<16xf32>
      %div3A_288 = arith.divf %mul3A_286, %sub3A_287 : vector<16xf32>
      %broadcast_in_dim3A_289 = arith.constant 42 : i32
      %broadcast_in_dim3A_290 = vector.broadcast %broadcast_in_dim3A_289 : i32 to vector<16xi32>
      %add3A_291 = arith.addi %mul3A_100, %broadcast_in_dim3A_290 : vector<16xi32>
      %mul3A_292 = arith.mulf %div3A_288, %gather3A_46 : vector<16xf32>
      tpu.vector_store_idx %arg12[%add3A_291], %mul3A_292 : memref<28672xf32, #tpu.memory_space<vmem>>[vector<16xi32>], vector<16xf32>,
      %broadcast_in_dim3A_293 = arith.constant 43 : i32
      %broadcast_in_dim3A_294 = vector.broadcast %broadcast_in_dim3A_293 : i32 to vector<16xi32>
      %add3A_295 = arith.addi %mul3A_100, %broadcast_in_dim3A_294 : vector<16xi32>
      %mul3A_296 = arith.mulf %div3A_288, %gather3A_52 : vector<16xf32>
      tpu.vector_store_idx %arg12[%add3A_295], %mul3A_296 : memref<28672xf32, #tpu.memory_space<vmem>>[vector<16xi32>], vector<16xf32>,
      %broadcast_in_dim3A_297 = arith.constant 44 : i32
      %broadcast_in_dim3A_298 = vector.broadcast %broadcast_in_dim3A_297 : i32 to vector<16xi32>
      %add3A_299 = arith.addi %mul3A_100, %broadcast_in_dim3A_298 : vector<16xi32>
      %mul3A_300 = arith.mulf %div3A_288, %gather3A_58 : vector<16xf32>
      tpu.vector_store_idx %arg12[%add3A_299], %mul3A_300 : memref<28672xf32, #tpu.memory_space<vmem>>[vector<16xi32>], vector<16xf32>,
      %broadcast_in_dim3A_301 = arith.constant 45 : i32
      %broadcast_in_dim3A_302 = vector.broadcast %broadcast_in_dim3A_301 : i32 to vector<16xi32>
      %add3A_303 = arith.addi %mul3A_100, %broadcast_in_dim3A_302 : vector<16xi32>
      %mul3A_304 = arith.mulf %div3A_288, %gather3A_64 : vector<16xf32>
      tpu.vector_store_idx %arg12[%add3A_303], %mul3A_304 : memref<28672xf32, #tpu.memory_space<vmem>>[vector<16xi32>], vector<16xf32>,
      %broadcast_in_dim3A_305 = arith.constant 46 : i32
      %broadcast_in_dim3A_306 = vector.broadcast %broadcast_in_dim3A_305 : i32 to vector<16xi32>
      %add3A_307 = arith.addi %mul3A_100, %broadcast_in_dim3A_306 : vector<16xi32>
      %mul3A_308 = arith.mulf %div3A_288, %gather3A_70 : vector<16xf32>
      tpu.vector_store_idx %arg12[%add3A_307], %mul3A_308 : memref<28672xf32, #tpu.memory_space<vmem>>[vector<16xi32>], vector<16xf32>,
      %broadcast_in_dim3A_309 = arith.constant 47 : i32
      %broadcast_in_dim3A_310 = vector.broadcast %broadcast_in_dim3A_309 : i32 to vector<16xi32>
      %add3A_311 = arith.addi %mul3A_100, %broadcast_in_dim3A_310 : vector<16xi32>
      %mul3A_312 = arith.mulf %div3A_288, %gather3A_76 : vector<16xf32>
      tpu.vector_store_idx %arg12[%add3A_311], %mul3A_312 : memref<28672xf32, #tpu.memory_space<vmem>>[vector<16xi32>], vector<16xf32>,
      %broadcast_in_dim3A_313 = arith.constant 48 : i32
      %broadcast_in_dim3A_314 = vector.broadcast %broadcast_in_dim3A_313 : i32 to vector<16xi32>
      %add3A_315 = arith.addi %mul3A_100, %broadcast_in_dim3A_314 : vector<16xi32>
      %mul3A_316 = arith.mulf %div3A_288, %gather3A_88 : vector<16xf32>
      tpu.vector_store_idx %arg12[%add3A_315], %mul3A_316 : memref<28672xf32, #tpu.memory_space<vmem>>[vector<16xi32>], vector<16xf32>,
      %mul3A_317 = arith.mulf %gather3A_88, %div3A_97 : vector<16xf32>
      %sub3A_318 = arith.subf %add3A_95, %gather3A_88 : vector<16xf32>
      %div3A_319 = arith.divf %mul3A_317, %sub3A_318 : vector<16xf32>
      %broadcast_in_dim3A_320 = arith.constant 49 : i32
      %broadcast_in_dim3A_321 = vector.broadcast %broadcast_in_dim3A_320 : i32 to vector<16xi32>
      %add3A_322 = arith.addi %mul3A_100, %broadcast_in_dim3A_321 : vector<16xi32>
      %mul3A_323 = arith.mulf %div3A_319, %gather3A_46 : vector<16xf32>
      tpu.vector_store_idx %arg12[%add3A_322], %mul3A_323 : memref<28672xf32, #tpu.memory_space<vmem>>[vector<16xi32>], vector<16xf32>,
      %broadcast_in_dim3A_324 = arith.constant 50 : i32
      %broadcast_in_dim3A_325 = vector.broadcast %broadcast_in_dim3A_324 : i32 to vector<16xi32>
      %add3A_326 = arith.addi %mul3A_100, %broadcast_in_dim3A_325 : vector<16xi32>
      %mul3A_327 = arith.mulf %div3A_319, %gather3A_52 : vector<16xf32>
      tpu.vector_store_idx %arg12[%add3A_326], %mul3A_327 : memref<28672xf32, #tpu.memory_space<vmem>>[vector<16xi32>], vector<16xf32>,
      %broadcast_in_dim3A_328 = arith.constant 51 : i32
      %broadcast_in_dim3A_329 = vector.broadcast %broadcast_in_dim3A_328 : i32 to vector<16xi32>
      %add3A_330 = arith.addi %mul3A_100, %broadcast_in_dim3A_329 : vector<16xi32>
      %mul3A_331 = arith.mulf %div3A_319, %gather3A_58 : vector<16xf32>
      tpu.vector_store_idx %arg12[%add3A_330], %mul3A_331 : memref<28672xf32, #tpu.memory_space<vmem>>[vector<16xi32>], vector<16xf32>,
      %broadcast_in_dim3A_332 = arith.constant 52 : i32
      %broadcast_in_dim3A_333 = vector.broadcast %broadcast_in_dim3A_332 : i32 to vector<16xi32>
      %add3A_334 = arith.addi %mul3A_100, %broadcast_in_dim3A_333 : vector<16xi32>
      %mul3A_335 = arith.mulf %div3A_319, %gather3A_64 : vector<16xf32>
      tpu.vector_store_idx %arg12[%add3A_334], %mul3A_335 : memref<28672xf32, #tpu.memory_space<vmem>>[vector<16xi32>], vector<16xf32>,
      %broadcast_in_dim3A_336 = arith.constant 53 : i32
      %broadcast_in_dim3A_337 = vector.broadcast %broadcast_in_dim3A_336 : i32 to vector<16xi32>
      %add3A_338 = arith.addi %mul3A_100, %broadcast_in_dim3A_337 : vector<16xi32>
      %mul3A_339 = arith.mulf %div3A_319, %gather3A_70 : vector<16xf32>
      tpu.vector_store_idx %arg12[%add3A_338], %mul3A_339 : memref<28672xf32, #tpu.memory_space<vmem>>[vector<16xi32>], vector<16xf32>,
      %broadcast_in_dim3A_340 = arith.constant 54 : i32
      %broadcast_in_dim3A_341 = vector.broadcast %broadcast_in_dim3A_340 : i32 to vector<16xi32>
      %add3A_342 = arith.addi %mul3A_100, %broadcast_in_dim3A_341 : vector<16xi32>
      %mul3A_343 = arith.mulf %div3A_319, %gather3A_76 : vector<16xf32>
      tpu.vector_store_idx %arg12[%add3A_342], %mul3A_343 : memref<28672xf32, #tpu.memory_space<vmem>>[vector<16xi32>], vector<16xf32>,
      %broadcast_in_dim3A_344 = arith.constant 55 : i32
      %broadcast_in_dim3A_345 = vector.broadcast %broadcast_in_dim3A_344 : i32 to vector<16xi32>
      %add3A_346 = arith.addi %mul3A_100, %broadcast_in_dim3A_345 : vector<16xi32>
      %mul3A_347 = arith.mulf %div3A_319, %gather3A_82 : vector<16xf32>
      tpu.vector_store_idx %arg12[%add3A_346], %mul3A_347 : memref<28672xf32, #tpu.memory_space<vmem>>[vector<16xi32>], vector<16xf32>,
      %mul3A_348 = arith.constant 3 : i32
      %mul3A_349 = vector.broadcast %mul3A_348 : i32 to vector<16xi32>
      %mul3A_350 = arith.muli %add3A_35, %mul3A_349 : vector<16xi32>
      %gather3A_351 = tpu.vector_load_idx %arg9[%mul3A_350] : memref<1536xi32, #tpu.memory_space<vmem>>[vector<16xi32>], vector<16xi32>,
      %mul3A_352 = arith.constant 21 : i32
      %mul3A_353 = vector.broadcast %mul3A_352 : i32 to vector<16xi32>
      %mul3A_354 = arith.muli %gather3A_351, %mul3A_353 : vector<16xi32>
      %broadcast_in_dim3A_355 = arith.constant 1 : i32
      %broadcast_in_dim3A_356 = vector.broadcast %broadcast_in_dim3A_355 : i32 to vector<16xi32>
      %add3A_357 = arith.addi %mul3A_350, %broadcast_in_dim3A_356 : vector<16xi32>
      %gather3A_358 = tpu.vector_load_idx %arg9[%add3A_357] : memref<1536xi32, #tpu.memory_space<vmem>>[vector<16xi32>], vector<16xi32>,
      %add3A_359 = arith.addi %mul3A_354, %gather3A_358 : vector<16xi32>
      %gather3A_360 = tpu.vector_load_idx %arg8[%add3A_359] : memref<448xf32, #tpu.memory_space<vmem>>[vector<16xi32>], vector<16xf32>,
      %broadcast_in_dim3A_361 = arith.constant 2 : i32
      %broadcast_in_dim3A_362 = vector.broadcast %broadcast_in_dim3A_361 : i32 to vector<16xi32>
      %add3A_363 = arith.addi %mul3A_350, %broadcast_in_dim3A_362 : vector<16xi32>
      %gather3A_364 = tpu.vector_load_idx %arg9[%add3A_363] : memref<1536xi32, #tpu.memory_space<vmem>>[vector<16xi32>], vector<16xi32>,
      %add3A_365 = arith.addi %mul3A_354, %gather3A_364 : vector<16xi32>
      %gather3A_366 = tpu.vector_load_idx %arg8[%add3A_365] : memref<448xf32, #tpu.memory_space<vmem>>[vector<16xi32>], vector<16xf32>,
      %add3A_367 = arith.addf %gather3A_360, %gather3A_366 : vector<16xf32>
      %div3A_368 = arith.constant 1.000000e+00 : f32
      %div3A_369 = vector.broadcast %div3A_368 : f32 to vector<16xf32>
      %div3A_370 = arith.divf %div3A_369, %add3A_367 : vector<16xf32>
      %mul3A_371 = arith.constant 2 : i32
      %mul3A_372 = vector.broadcast %mul3A_371 : i32 to vector<16xi32>
      %mul3A_373 = arith.muli %add3A_35, %mul3A_372 : vector<16xi32>
      %mul3A_374 = arith.mulf %gather3A_360, %div3A_370 : vector<16xf32>
      tpu.vector_store_idx %arg11[%mul3A_373], %mul3A_374 : memref<1024xf32, #tpu.memory_space<vmem>>[vector<16xi32>], vector<16xf32>,
      %broadcast_in_dim3A_375 = arith.constant 1 : i32
      %broadcast_in_dim3A_376 = vector.broadcast %broadcast_in_dim3A_375 : i32 to vector<16xi32>
      %add3A_377 = arith.addi %mul3A_373, %broadcast_in_dim3A_376 : vector<16xi32>
      %mul3A_378 = arith.mulf %gather3A_366, %div3A_370 : vector<16xf32>
      tpu.vector_store_idx %arg11[%add3A_377], %mul3A_378 : memref<1024xf32, #tpu.memory_space<vmem>>[vector<16xi32>], vector<16xf32>,
      %mul3A_379 = arith.constant 2 : i32
      %mul3A_380 = arith.muli %scan3A_29, %mul3A_379 : i32
      %add3A_381 = arith.constant 1 : i32
      %add3A_382 = arith.addi %mul3A_380, %add3A_381 : i32
      %mul3A_383 = arith.constant 16 : i32
      %mul3A_384 = arith.muli %add3A_382, %mul3A_383 : i32
      %add3A_385 = vector.broadcast %mul3A_384 : i32 to vector<16xi32>
      %add3A_386 = arith.addi %add3A_385, %iota3A_18 : vector<16xi32>
      %mul3A_387 = arith.constant 9 : i32
      %mul3A_388 = vector.broadcast %mul3A_387 : i32 to vector<16xi32>
      %mul3A_389 = arith.muli %add3A_386, %mul3A_388 : vector<16xi32>
      %gather3A_390 = tpu.vector_load_idx %arg10[%mul3A_389] : memref<4608xi32, #tpu.memory_space<vmem>>[vector<16xi32>], vector<16xi32>,
      %mul3A_391 = arith.constant 21 : i32
      %mul3A_392 = vector.broadcast %mul3A_391 : i32 to vector<16xi32>
      %mul3A_393 = arith.muli %gather3A_390, %mul3A_392 : vector<16xi32>
      %broadcast_in_dim3A_394 = arith.constant 1 : i32
      %broadcast_in_dim3A_395 = vector.broadcast %broadcast_in_dim3A_394 : i32 to vector<16xi32>
      %add3A_396 = arith.addi %mul3A_389, %broadcast_in_dim3A_395 : vector<16xi32>
      %gather3A_397 = tpu.vector_load_idx %arg10[%add3A_396] : memref<4608xi32, #tpu.memory_space<vmem>>[vector<16xi32>], vector<16xi32>,
      %add3A_398 = arith.addi %mul3A_393, %gather3A_397 : vector<16xi32>
      %gather3A_399 = tpu.vector_load_idx %arg8[%add3A_398] : memref<448xf32, #tpu.memory_space<vmem>>[vector<16xi32>], vector<16xf32>,
      %broadcast_in_dim3A_400 = arith.constant 2 : i32
      %broadcast_in_dim3A_401 = vector.broadcast %broadcast_in_dim3A_400 : i32 to vector<16xi32>
      %add3A_402 = arith.addi %mul3A_389, %broadcast_in_dim3A_401 : vector<16xi32>
      %gather3A_403 = tpu.vector_load_idx %arg10[%add3A_402] : memref<4608xi32, #tpu.memory_space<vmem>>[vector<16xi32>], vector<16xi32>,
      %add3A_404 = arith.addi %mul3A_393, %gather3A_403 : vector<16xi32>
      %gather3A_405 = tpu.vector_load_idx %arg8[%add3A_404] : memref<448xf32, #tpu.memory_space<vmem>>[vector<16xi32>], vector<16xf32>,
      %broadcast_in_dim3A_406 = arith.constant 3 : i32
      %broadcast_in_dim3A_407 = vector.broadcast %broadcast_in_dim3A_406 : i32 to vector<16xi32>
      %add3A_408 = arith.addi %mul3A_389, %broadcast_in_dim3A_407 : vector<16xi32>
      %gather3A_409 = tpu.vector_load_idx %arg10[%add3A_408] : memref<4608xi32, #tpu.memory_space<vmem>>[vector<16xi32>], vector<16xi32>,
      %add3A_410 = arith.addi %mul3A_393, %gather3A_409 : vector<16xi32>
      %gather3A_411 = tpu.vector_load_idx %arg8[%add3A_410] : memref<448xf32, #tpu.memory_space<vmem>>[vector<16xi32>], vector<16xf32>,
      %broadcast_in_dim3A_412 = arith.constant 4 : i32
      %broadcast_in_dim3A_413 = vector.broadcast %broadcast_in_dim3A_412 : i32 to vector<16xi32>
      %add3A_414 = arith.addi %mul3A_389, %broadcast_in_dim3A_413 : vector<16xi32>
      %gather3A_415 = tpu.vector_load_idx %arg10[%add3A_414] : memref<4608xi32, #tpu.memory_space<vmem>>[vector<16xi32>], vector<16xi32>,
      %add3A_416 = arith.addi %mul3A_393, %gather3A_415 : vector<16xi32>
      %gather3A_417 = tpu.vector_load_idx %arg8[%add3A_416] : memref<448xf32, #tpu.memory_space<vmem>>[vector<16xi32>], vector<16xf32>,
      %broadcast_in_dim3A_418 = arith.constant 5 : i32
      %broadcast_in_dim3A_419 = vector.broadcast %broadcast_in_dim3A_418 : i32 to vector<16xi32>
      %add3A_420 = arith.addi %mul3A_389, %broadcast_in_dim3A_419 : vector<16xi32>
      %gather3A_421 = tpu.vector_load_idx %arg10[%add3A_420] : memref<4608xi32, #tpu.memory_space<vmem>>[vector<16xi32>], vector<16xi32>,
      %add3A_422 = arith.addi %mul3A_393, %gather3A_421 : vector<16xi32>
      %gather3A_423 = tpu.vector_load_idx %arg8[%add3A_422] : memref<448xf32, #tpu.memory_space<vmem>>[vector<16xi32>], vector<16xf32>,
      %broadcast_in_dim3A_424 = arith.constant 6 : i32
      %broadcast_in_dim3A_425 = vector.broadcast %broadcast_in_dim3A_424 : i32 to vector<16xi32>
      %add3A_426 = arith.addi %mul3A_389, %broadcast_in_dim3A_425 : vector<16xi32>
      %gather3A_427 = tpu.vector_load_idx %arg10[%add3A_426] : memref<4608xi32, #tpu.memory_space<vmem>>[vector<16xi32>], vector<16xi32>,
      %add3A_428 = arith.addi %mul3A_393, %gather3A_427 : vector<16xi32>
      %gather3A_429 = tpu.vector_load_idx %arg8[%add3A_428] : memref<448xf32, #tpu.memory_space<vmem>>[vector<16xi32>], vector<16xf32>,
      %broadcast_in_dim3A_430 = arith.constant 7 : i32
      %broadcast_in_dim3A_431 = vector.broadcast %broadcast_in_dim3A_430 : i32 to vector<16xi32>
      %add3A_432 = arith.addi %mul3A_389, %broadcast_in_dim3A_431 : vector<16xi32>
      %gather3A_433 = tpu.vector_load_idx %arg10[%add3A_432] : memref<4608xi32, #tpu.memory_space<vmem>>[vector<16xi32>], vector<16xi32>,
      %add3A_434 = arith.addi %mul3A_393, %gather3A_433 : vector<16xi32>
      %gather3A_435 = tpu.vector_load_idx %arg8[%add3A_434] : memref<448xf32, #tpu.memory_space<vmem>>[vector<16xi32>], vector<16xf32>,
      %broadcast_in_dim3A_436 = arith.constant 8 : i32
      %broadcast_in_dim3A_437 = vector.broadcast %broadcast_in_dim3A_436 : i32 to vector<16xi32>
      %add3A_438 = arith.addi %mul3A_389, %broadcast_in_dim3A_437 : vector<16xi32>
      %gather3A_439 = tpu.vector_load_idx %arg10[%add3A_438] : memref<4608xi32, #tpu.memory_space<vmem>>[vector<16xi32>], vector<16xi32>,
      %add3A_440 = arith.addi %mul3A_393, %gather3A_439 : vector<16xi32>
      %gather3A_441 = tpu.vector_load_idx %arg8[%add3A_440] : memref<448xf32, #tpu.memory_space<vmem>>[vector<16xi32>], vector<16xf32>,
      %add3A_442 = arith.addf %gather3A_399, %gather3A_405 : vector<16xf32>
      %add3A_443 = arith.addf %add3A_442, %gather3A_411 : vector<16xf32>
      %add3A_444 = arith.addf %add3A_443, %gather3A_417 : vector<16xf32>
      %add3A_445 = arith.addf %add3A_444, %gather3A_423 : vector<16xf32>
      %add3A_446 = arith.addf %add3A_445, %gather3A_429 : vector<16xf32>
      %add3A_447 = arith.addf %add3A_446, %gather3A_435 : vector<16xf32>
      %add3A_448 = arith.addf %add3A_447, %gather3A_441 : vector<16xf32>
      %div3A_449 = arith.constant 1.000000e+00 : f32
      %div3A_450 = vector.broadcast %div3A_449 : f32 to vector<16xf32>
      %div3A_451 = arith.divf %div3A_450, %add3A_448 : vector<16xf32>
      %mul3A_452 = arith.constant 56 : i32
      %mul3A_453 = vector.broadcast %mul3A_452 : i32 to vector<16xi32>
      %mul3A_454 = arith.muli %add3A_386, %mul3A_453 : vector<16xi32>
      %mul3A_455 = arith.mulf %gather3A_399, %div3A_451 : vector<16xf32>
      %sub3A_456 = arith.subf %add3A_448, %gather3A_399 : vector<16xf32>
      %div3A_457 = arith.divf %mul3A_455, %sub3A_456 : vector<16xf32>
      %broadcast_in_dim3A_458 = arith.constant 0 : i32
      %broadcast_in_dim3A_459 = vector.broadcast %broadcast_in_dim3A_458 : i32 to vector<16xi32>
      %add3A_460 = arith.addi %mul3A_454, %broadcast_in_dim3A_459 : vector<16xi32>
      %mul3A_461 = arith.mulf %div3A_457, %gather3A_405 : vector<16xf32>
      tpu.vector_store_idx %arg12[%add3A_460], %mul3A_461 : memref<28672xf32, #tpu.memory_space<vmem>>[vector<16xi32>], vector<16xf32>,
      %broadcast_in_dim3A_462 = arith.constant 1 : i32
      %broadcast_in_dim3A_463 = vector.broadcast %broadcast_in_dim3A_462 : i32 to vector<16xi32>
      %add3A_464 = arith.addi %mul3A_454, %broadcast_in_dim3A_463 : vector<16xi32>
      %mul3A_465 = arith.mulf %div3A_457, %gather3A_411 : vector<16xf32>
      tpu.vector_store_idx %arg12[%add3A_464], %mul3A_465 : memref<28672xf32, #tpu.memory_space<vmem>>[vector<16xi32>], vector<16xf32>,
      %broadcast_in_dim3A_466 = arith.constant 2 : i32
      %broadcast_in_dim3A_467 = vector.broadcast %broadcast_in_dim3A_466 : i32 to vector<16xi32>
      %add3A_468 = arith.addi %mul3A_454, %broadcast_in_dim3A_467 : vector<16xi32>
      %mul3A_469 = arith.mulf %div3A_457, %gather3A_417 : vector<16xf32>
      tpu.vector_store_idx %arg12[%add3A_468], %mul3A_469 : memref<28672xf32, #tpu.memory_space<vmem>>[vector<16xi32>], vector<16xf32>,
      %broadcast_in_dim3A_470 = arith.constant 3 : i32
      %broadcast_in_dim3A_471 = vector.broadcast %broadcast_in_dim3A_470 : i32 to vector<16xi32>
      %add3A_472 = arith.addi %mul3A_454, %broadcast_in_dim3A_471 : vector<16xi32>
      %mul3A_473 = arith.mulf %div3A_457, %gather3A_423 : vector<16xf32>
      tpu.vector_store_idx %arg12[%add3A_472], %mul3A_473 : memref<28672xf32, #tpu.memory_space<vmem>>[vector<16xi32>], vector<16xf32>,
      %broadcast_in_dim3A_474 = arith.constant 4 : i32
      %broadcast_in_dim3A_475 = vector.broadcast %broadcast_in_dim3A_474 : i32 to vector<16xi32>
      %add3A_476 = arith.addi %mul3A_454, %broadcast_in_dim3A_475 : vector<16xi32>
      %mul3A_477 = arith.mulf %div3A_457, %gather3A_429 : vector<16xf32>
      tpu.vector_store_idx %arg12[%add3A_476], %mul3A_477 : memref<28672xf32, #tpu.memory_space<vmem>>[vector<16xi32>], vector<16xf32>,
      %broadcast_in_dim3A_478 = arith.constant 5 : i32
      %broadcast_in_dim3A_479 = vector.broadcast %broadcast_in_dim3A_478 : i32 to vector<16xi32>
      %add3A_480 = arith.addi %mul3A_454, %broadcast_in_dim3A_479 : vector<16xi32>
      %mul3A_481 = arith.mulf %div3A_457, %gather3A_435 : vector<16xf32>
      tpu.vector_store_idx %arg12[%add3A_480], %mul3A_481 : memref<28672xf32, #tpu.memory_space<vmem>>[vector<16xi32>], vector<16xf32>,
      %broadcast_in_dim3A_482 = arith.constant 6 : i32
      %broadcast_in_dim3A_483 = vector.broadcast %broadcast_in_dim3A_482 : i32 to vector<16xi32>
      %add3A_484 = arith.addi %mul3A_454, %broadcast_in_dim3A_483 : vector<16xi32>
      %mul3A_485 = arith.mulf %div3A_457, %gather3A_441 : vector<16xf32>
      tpu.vector_store_idx %arg12[%add3A_484], %mul3A_485 : memref<28672xf32, #tpu.memory_space<vmem>>[vector<16xi32>], vector<16xf32>,
      %mul3A_486 = arith.mulf %gather3A_405, %div3A_451 : vector<16xf32>
      %sub3A_487 = arith.subf %add3A_448, %gather3A_405 : vector<16xf32>
      %div3A_488 = arith.divf %mul3A_486, %sub3A_487 : vector<16xf32>
      %broadcast_in_dim3A_489 = arith.constant 7 : i32
      %broadcast_in_dim3A_490 = vector.broadcast %broadcast_in_dim3A_489 : i32 to vector<16xi32>
      %add3A_491 = arith.addi %mul3A_454, %broadcast_in_dim3A_490 : vector<16xi32>
      %mul3A_492 = arith.mulf %div3A_488, %gather3A_399 : vector<16xf32>
      tpu.vector_store_idx %arg12[%add3A_491], %mul3A_492 : memref<28672xf32, #tpu.memory_space<vmem>>[vector<16xi32>], vector<16xf32>,
      %broadcast_in_dim3A_493 = arith.constant 8 : i32
      %broadcast_in_dim3A_494 = vector.broadcast %broadcast_in_dim3A_493 : i32 to vector<16xi32>
      %add3A_495 = arith.addi %mul3A_454, %broadcast_in_dim3A_494 : vector<16xi32>
      %mul3A_496 = arith.mulf %div3A_488, %gather3A_411 : vector<16xf32>
      tpu.vector_store_idx %arg12[%add3A_495], %mul3A_496 : memref<28672xf32, #tpu.memory_space<vmem>>[vector<16xi32>], vector<16xf32>,
      %broadcast_in_dim3A_497 = arith.constant 9 : i32
      %broadcast_in_dim3A_498 = vector.broadcast %broadcast_in_dim3A_497 : i32 to vector<16xi32>
      %add3A_499 = arith.addi %mul3A_454, %broadcast_in_dim3A_498 : vector<16xi32>
      %mul3A_500 = arith.mulf %div3A_488, %gather3A_417 : vector<16xf32>
      tpu.vector_store_idx %arg12[%add3A_499], %mul3A_500 : memref<28672xf32, #tpu.memory_space<vmem>>[vector<16xi32>], vector<16xf32>,
      %broadcast_in_dim3A_501 = arith.constant 10 : i32
      %broadcast_in_dim3A_502 = vector.broadcast %broadcast_in_dim3A_501 : i32 to vector<16xi32>
      %add3A_503 = arith.addi %mul3A_454, %broadcast_in_dim3A_502 : vector<16xi32>
      %mul3A_504 = arith.mulf %div3A_488, %gather3A_423 : vector<16xf32>
      tpu.vector_store_idx %arg12[%add3A_503], %mul3A_504 : memref<28672xf32, #tpu.memory_space<vmem>>[vector<16xi32>], vector<16xf32>,
      %broadcast_in_dim3A_505 = arith.constant 11 : i32
      %broadcast_in_dim3A_506 = vector.broadcast %broadcast_in_dim3A_505 : i32 to vector<16xi32>
      %add3A_507 = arith.addi %mul3A_454, %broadcast_in_dim3A_506 : vector<16xi32>
      %mul3A_508 = arith.mulf %div3A_488, %gather3A_429 : vector<16xf32>
      tpu.vector_store_idx %arg12[%add3A_507], %mul3A_508 : memref<28672xf32, #tpu.memory_space<vmem>>[vector<16xi32>], vector<16xf32>,
      %broadcast_in_dim3A_509 = arith.constant 12 : i32
      %broadcast_in_dim3A_510 = vector.broadcast %broadcast_in_dim3A_509 : i32 to vector<16xi32>
      %add3A_511 = arith.addi %mul3A_454, %broadcast_in_dim3A_510 : vector<16xi32>
      %mul3A_512 = arith.mulf %div3A_488, %gather3A_435 : vector<16xf32>
      tpu.vector_store_idx %arg12[%add3A_511], %mul3A_512 : memref<28672xf32, #tpu.memory_space<vmem>>[vector<16xi32>], vector<16xf32>,
      %broadcast_in_dim3A_513 = arith.constant 13 : i32
      %broadcast_in_dim3A_514 = vector.broadcast %broadcast_in_dim3A_513 : i32 to vector<16xi32>
      %add3A_515 = arith.addi %mul3A_454, %broadcast_in_dim3A_514 : vector<16xi32>
      %mul3A_516 = arith.mulf %div3A_488, %gather3A_441 : vector<16xf32>
      tpu.vector_store_idx %arg12[%add3A_515], %mul3A_516 : memref<28672xf32, #tpu.memory_space<vmem>>[vector<16xi32>], vector<16xf32>,
      %mul3A_517 = arith.mulf %gather3A_411, %div3A_451 : vector<16xf32>
      %sub3A_518 = arith.subf %add3A_448, %gather3A_411 : vector<16xf32>
      %div3A_519 = arith.divf %mul3A_517, %sub3A_518 : vector<16xf32>
      %broadcast_in_dim3A_520 = arith.constant 14 : i32
      %broadcast_in_dim3A_521 = vector.broadcast %broadcast_in_dim3A_520 : i32 to vector<16xi32>
      %add3A_522 = arith.addi %mul3A_454, %broadcast_in_dim3A_521 : vector<16xi32>
      %mul3A_523 = arith.mulf %div3A_519, %gather3A_399 : vector<16xf32>
      tpu.vector_store_idx %arg12[%add3A_522], %mul3A_523 : memref<28672xf32, #tpu.memory_space<vmem>>[vector<16xi32>], vector<16xf32>,
      %broadcast_in_dim3A_524 = arith.constant 15 : i32
      %broadcast_in_dim3A_525 = vector.broadcast %broadcast_in_dim3A_524 : i32 to vector<16xi32>
      %add3A_526 = arith.addi %mul3A_454, %broadcast_in_dim3A_525 : vector<16xi32>
      %mul3A_527 = arith.mulf %div3A_519, %gather3A_405 : vector<16xf32>
      tpu.vector_store_idx %arg12[%add3A_526], %mul3A_527 : memref<28672xf32, #tpu.memory_space<vmem>>[vector<16xi32>], vector<16xf32>,
      %broadcast_in_dim3A_528 = arith.constant 16 : i32
      %broadcast_in_dim3A_529 = vector.broadcast %broadcast_in_dim3A_528 : i32 to vector<16xi32>
      %add3A_530 = arith.addi %mul3A_454, %broadcast_in_dim3A_529 : vector<16xi32>
      %mul3A_531 = arith.mulf %div3A_519, %gather3A_417 : vector<16xf32>
      tpu.vector_store_idx %arg12[%add3A_530], %mul3A_531 : memref<28672xf32, #tpu.memory_space<vmem>>[vector<16xi32>], vector<16xf32>,
      %broadcast_in_dim3A_532 = arith.constant 17 : i32
      %broadcast_in_dim3A_533 = vector.broadcast %broadcast_in_dim3A_532 : i32 to vector<16xi32>
      %add3A_534 = arith.addi %mul3A_454, %broadcast_in_dim3A_533 : vector<16xi32>
      %mul3A_535 = arith.mulf %div3A_519, %gather3A_423 : vector<16xf32>
      tpu.vector_store_idx %arg12[%add3A_534], %mul3A_535 : memref<28672xf32, #tpu.memory_space<vmem>>[vector<16xi32>], vector<16xf32>,
      %broadcast_in_dim3A_536 = arith.constant 18 : i32
      %broadcast_in_dim3A_537 = vector.broadcast %broadcast_in_dim3A_536 : i32 to vector<16xi32>
      %add3A_538 = arith.addi %mul3A_454, %broadcast_in_dim3A_537 : vector<16xi32>
      %mul3A_539 = arith.mulf %div3A_519, %gather3A_429 : vector<16xf32>
      tpu.vector_store_idx %arg12[%add3A_538], %mul3A_539 : memref<28672xf32, #tpu.memory_space<vmem>>[vector<16xi32>], vector<16xf32>,
      %broadcast_in_dim3A_540 = arith.constant 19 : i32
      %broadcast_in_dim3A_541 = vector.broadcast %broadcast_in_dim3A_540 : i32 to vector<16xi32>
      %add3A_542 = arith.addi %mul3A_454, %broadcast_in_dim3A_541 : vector<16xi32>
      %mul3A_543 = arith.mulf %div3A_519, %gather3A_435 : vector<16xf32>
      tpu.vector_store_idx %arg12[%add3A_542], %mul3A_543 : memref<28672xf32, #tpu.memory_space<vmem>>[vector<16xi32>], vector<16xf32>,
      %broadcast_in_dim3A_544 = arith.constant 20 : i32
      %broadcast_in_dim3A_545 = vector.broadcast %broadcast_in_dim3A_544 : i32 to vector<16xi32>
      %add3A_546 = arith.addi %mul3A_454, %broadcast_in_dim3A_545 : vector<16xi32>
      %mul3A_547 = arith.mulf %div3A_519, %gather3A_441 : vector<16xf32>
      tpu.vector_store_idx %arg12[%add3A_546], %mul3A_547 : memref<28672xf32, #tpu.memory_space<vmem>>[vector<16xi32>], vector<16xf32>,
      %mul3A_548 = arith.mulf %gather3A_417, %div3A_451 : vector<16xf32>
      %sub3A_549 = arith.subf %add3A_448, %gather3A_417 : vector<16xf32>
      %div3A_550 = arith.divf %mul3A_548, %sub3A_549 : vector<16xf32>
      %broadcast_in_dim3A_551 = arith.constant 21 : i32
      %broadcast_in_dim3A_552 = vector.broadcast %broadcast_in_dim3A_551 : i32 to vector<16xi32>
      %add3A_553 = arith.addi %mul3A_454, %broadcast_in_dim3A_552 : vector<16xi32>
      %mul3A_554 = arith.mulf %div3A_550, %gather3A_399 : vector<16xf32>
      tpu.vector_store_idx %arg12[%add3A_553], %mul3A_554 : memref<28672xf32, #tpu.memory_space<vmem>>[vector<16xi32>], vector<16xf32>,
      %broadcast_in_dim3A_555 = arith.constant 22 : i32
      %broadcast_in_dim3A_556 = vector.broadcast %broadcast_in_dim3A_555 : i32 to vector<16xi32>
      %add3A_557 = arith.addi %mul3A_454, %broadcast_in_dim3A_556 : vector<16xi32>
      %mul3A_558 = arith.mulf %div3A_550, %gather3A_405 : vector<16xf32>
      tpu.vector_store_idx %arg12[%add3A_557], %mul3A_558 : memref<28672xf32, #tpu.memory_space<vmem>>[vector<16xi32>], vector<16xf32>,
      %broadcast_in_dim3A_559 = arith.constant 23 : i32
      %broadcast_in_dim3A_560 = vector.broadcast %broadcast_in_dim3A_559 : i32 to vector<16xi32>
      %add3A_561 = arith.addi %mul3A_454, %broadcast_in_dim3A_560 : vector<16xi32>
      %mul3A_562 = arith.mulf %div3A_550, %gather3A_411 : vector<16xf32>
      tpu.vector_store_idx %arg12[%add3A_561], %mul3A_562 : memref<28672xf32, #tpu.memory_space<vmem>>[vector<16xi32>], vector<16xf32>,
      %broadcast_in_dim3A_563 = arith.constant 24 : i32
      %broadcast_in_dim3A_564 = vector.broadcast %broadcast_in_dim3A_563 : i32 to vector<16xi32>
      %add3A_565 = arith.addi %mul3A_454, %broadcast_in_dim3A_564 : vector<16xi32>
      %mul3A_566 = arith.mulf %div3A_550, %gather3A_423 : vector<16xf32>
      tpu.vector_store_idx %arg12[%add3A_565], %mul3A_566 : memref<28672xf32, #tpu.memory_space<vmem>>[vector<16xi32>], vector<16xf32>,
      %broadcast_in_dim3A_567 = arith.constant 25 : i32
      %broadcast_in_dim3A_568 = vector.broadcast %broadcast_in_dim3A_567 : i32 to vector<16xi32>
      %add3A_569 = arith.addi %mul3A_454, %broadcast_in_dim3A_568 : vector<16xi32>
      %mul3A_570 = arith.mulf %div3A_550, %gather3A_429 : vector<16xf32>
      tpu.vector_store_idx %arg12[%add3A_569], %mul3A_570 : memref<28672xf32, #tpu.memory_space<vmem>>[vector<16xi32>], vector<16xf32>,
      %broadcast_in_dim3A_571 = arith.constant 26 : i32
      %broadcast_in_dim3A_572 = vector.broadcast %broadcast_in_dim3A_571 : i32 to vector<16xi32>
      %add3A_573 = arith.addi %mul3A_454, %broadcast_in_dim3A_572 : vector<16xi32>
      %mul3A_574 = arith.mulf %div3A_550, %gather3A_435 : vector<16xf32>
      tpu.vector_store_idx %arg12[%add3A_573], %mul3A_574 : memref<28672xf32, #tpu.memory_space<vmem>>[vector<16xi32>], vector<16xf32>,
      %broadcast_in_dim3A_575 = arith.constant 27 : i32
      %broadcast_in_dim3A_576 = vector.broadcast %broadcast_in_dim3A_575 : i32 to vector<16xi32>
      %add3A_577 = arith.addi %mul3A_454, %broadcast_in_dim3A_576 : vector<16xi32>
      %mul3A_578 = arith.mulf %div3A_550, %gather3A_441 : vector<16xf32>
      tpu.vector_store_idx %arg12[%add3A_577], %mul3A_578 : memref<28672xf32, #tpu.memory_space<vmem>>[vector<16xi32>], vector<16xf32>,
      %mul3A_579 = arith.mulf %gather3A_423, %div3A_451 : vector<16xf32>
      %sub3A_580 = arith.subf %add3A_448, %gather3A_423 : vector<16xf32>
      %div3A_581 = arith.divf %mul3A_579, %sub3A_580 : vector<16xf32>
      %broadcast_in_dim3A_582 = arith.constant 28 : i32
      %broadcast_in_dim3A_583 = vector.broadcast %broadcast_in_dim3A_582 : i32 to vector<16xi32>
      %add3A_584 = arith.addi %mul3A_454, %broadcast_in_dim3A_583 : vector<16xi32>
      %mul3A_585 = arith.mulf %div3A_581, %gather3A_399 : vector<16xf32>
      tpu.vector_store_idx %arg12[%add3A_584], %mul3A_585 : memref<28672xf32, #tpu.memory_space<vmem>>[vector<16xi32>], vector<16xf32>,
      %broadcast_in_dim3A_586 = arith.constant 29 : i32
      %broadcast_in_dim3A_587 = vector.broadcast %broadcast_in_dim3A_586 : i32 to vector<16xi32>
      %add3A_588 = arith.addi %mul3A_454, %broadcast_in_dim3A_587 : vector<16xi32>
      %mul3A_589 = arith.mulf %div3A_581, %gather3A_405 : vector<16xf32>
      tpu.vector_store_idx %arg12[%add3A_588], %mul3A_589 : memref<28672xf32, #tpu.memory_space<vmem>>[vector<16xi32>], vector<16xf32>,
      %broadcast_in_dim3A_590 = arith.constant 30 : i32
      %broadcast_in_dim3A_591 = vector.broadcast %broadcast_in_dim3A_590 : i32 to vector<16xi32>
      %add3A_592 = arith.addi %mul3A_454, %broadcast_in_dim3A_591 : vector<16xi32>
      %mul3A_593 = arith.mulf %div3A_581, %gather3A_411 : vector<16xf32>
      tpu.vector_store_idx %arg12[%add3A_592], %mul3A_593 : memref<28672xf32, #tpu.memory_space<vmem>>[vector<16xi32>], vector<16xf32>,
      %broadcast_in_dim3A_594 = arith.constant 31 : i32
      %broadcast_in_dim3A_595 = vector.broadcast %broadcast_in_dim3A_594 : i32 to vector<16xi32>
      %add3A_596 = arith.addi %mul3A_454, %broadcast_in_dim3A_595 : vector<16xi32>
      %mul3A_597 = arith.mulf %div3A_581, %gather3A_417 : vector<16xf32>
      tpu.vector_store_idx %arg12[%add3A_596], %mul3A_597 : memref<28672xf32, #tpu.memory_space<vmem>>[vector<16xi32>], vector<16xf32>,
      %broadcast_in_dim3A_598 = arith.constant 32 : i32
      %broadcast_in_dim3A_599 = vector.broadcast %broadcast_in_dim3A_598 : i32 to vector<16xi32>
      %add3A_600 = arith.addi %mul3A_454, %broadcast_in_dim3A_599 : vector<16xi32>
      %mul3A_601 = arith.mulf %div3A_581, %gather3A_429 : vector<16xf32>
      tpu.vector_store_idx %arg12[%add3A_600], %mul3A_601 : memref<28672xf32, #tpu.memory_space<vmem>>[vector<16xi32>], vector<16xf32>,
      %broadcast_in_dim3A_602 = arith.constant 33 : i32
      %broadcast_in_dim3A_603 = vector.broadcast %broadcast_in_dim3A_602 : i32 to vector<16xi32>
      %add3A_604 = arith.addi %mul3A_454, %broadcast_in_dim3A_603 : vector<16xi32>
      %mul3A_605 = arith.mulf %div3A_581, %gather3A_435 : vector<16xf32>
      tpu.vector_store_idx %arg12[%add3A_604], %mul3A_605 : memref<28672xf32, #tpu.memory_space<vmem>>[vector<16xi32>], vector<16xf32>,
      %broadcast_in_dim3A_606 = arith.constant 34 : i32
      %broadcast_in_dim3A_607 = vector.broadcast %broadcast_in_dim3A_606 : i32 to vector<16xi32>
      %add3A_608 = arith.addi %mul3A_454, %broadcast_in_dim3A_607 : vector<16xi32>
      %mul3A_609 = arith.mulf %div3A_581, %gather3A_441 : vector<16xf32>
      tpu.vector_store_idx %arg12[%add3A_608], %mul3A_609 : memref<28672xf32, #tpu.memory_space<vmem>>[vector<16xi32>], vector<16xf32>,
      %mul3A_610 = arith.mulf %gather3A_429, %div3A_451 : vector<16xf32>
      %sub3A_611 = arith.subf %add3A_448, %gather3A_429 : vector<16xf32>
      %div3A_612 = arith.divf %mul3A_610, %sub3A_611 : vector<16xf32>
      %broadcast_in_dim3A_613 = arith.constant 35 : i32
      %broadcast_in_dim3A_614 = vector.broadcast %broadcast_in_dim3A_613 : i32 to vector<16xi32>
      %add3A_615 = arith.addi %mul3A_454, %broadcast_in_dim3A_614 : vector<16xi32>
      %mul3A_616 = arith.mulf %div3A_612, %gather3A_399 : vector<16xf32>
      tpu.vector_store_idx %arg12[%add3A_615], %mul3A_616 : memref<28672xf32, #tpu.memory_space<vmem>>[vector<16xi32>], vector<16xf32>,
      %broadcast_in_dim3A_617 = arith.constant 36 : i32
      %broadcast_in_dim3A_618 = vector.broadcast %broadcast_in_dim3A_617 : i32 to vector<16xi32>
      %add3A_619 = arith.addi %mul3A_454, %broadcast_in_dim3A_618 : vector<16xi32>
      %mul3A_620 = arith.mulf %div3A_612, %gather3A_405 : vector<16xf32>
      tpu.vector_store_idx %arg12[%add3A_619], %mul3A_620 : memref<28672xf32, #tpu.memory_space<vmem>>[vector<16xi32>], vector<16xf32>,
      %broadcast_in_dim3A_621 = arith.constant 37 : i32
      %broadcast_in_dim3A_622 = vector.broadcast %broadcast_in_dim3A_621 : i32 to vector<16xi32>
      %add3A_623 = arith.addi %mul3A_454, %broadcast_in_dim3A_622 : vector<16xi32>
      %mul3A_624 = arith.mulf %div3A_612, %gather3A_411 : vector<16xf32>
      tpu.vector_store_idx %arg12[%add3A_623], %mul3A_624 : memref<28672xf32, #tpu.memory_space<vmem>>[vector<16xi32>], vector<16xf32>,
      %broadcast_in_dim3A_625 = arith.constant 38 : i32
      %broadcast_in_dim3A_626 = vector.broadcast %broadcast_in_dim3A_625 : i32 to vector<16xi32>
      %add3A_627 = arith.addi %mul3A_454, %broadcast_in_dim3A_626 : vector<16xi32>
      %mul3A_628 = arith.mulf %div3A_612, %gather3A_417 : vector<16xf32>
      tpu.vector_store_idx %arg12[%add3A_627], %mul3A_628 : memref<28672xf32, #tpu.memory_space<vmem>>[vector<16xi32>], vector<16xf32>,
      %broadcast_in_dim3A_629 = arith.constant 39 : i32
      %broadcast_in_dim3A_630 = vector.broadcast %broadcast_in_dim3A_629 : i32 to vector<16xi32>
      %add3A_631 = arith.addi %mul3A_454, %broadcast_in_dim3A_630 : vector<16xi32>
      %mul3A_632 = arith.mulf %div3A_612, %gather3A_423 : vector<16xf32>
      tpu.vector_store_idx %arg12[%add3A_631], %mul3A_632 : memref<28672xf32, #tpu.memory_space<vmem>>[vector<16xi32>], vector<16xf32>,
      %broadcast_in_dim3A_633 = arith.constant 40 : i32
      %broadcast_in_dim3A_634 = vector.broadcast %broadcast_in_dim3A_633 : i32 to vector<16xi32>
      %add3A_635 = arith.addi %mul3A_454, %broadcast_in_dim3A_634 : vector<16xi32>
      %mul3A_636 = arith.mulf %div3A_612, %gather3A_435 : vector<16xf32>
      tpu.vector_store_idx %arg12[%add3A_635], %mul3A_636 : memref<28672xf32, #tpu.memory_space<vmem>>[vector<16xi32>], vector<16xf32>,
      %broadcast_in_dim3A_637 = arith.constant 41 : i32
      %broadcast_in_dim3A_638 = vector.broadcast %broadcast_in_dim3A_637 : i32 to vector<16xi32>
      %add3A_639 = arith.addi %mul3A_454, %broadcast_in_dim3A_638 : vector<16xi32>
      %mul3A_640 = arith.mulf %div3A_612, %gather3A_441 : vector<16xf32>
      tpu.vector_store_idx %arg12[%add3A_639], %mul3A_640 : memref<28672xf32, #tpu.memory_space<vmem>>[vector<16xi32>], vector<16xf32>,
      %mul3A_641 = arith.mulf %gather3A_435, %div3A_451 : vector<16xf32>
      %sub3A_642 = arith.subf %add3A_448, %gather3A_435 : vector<16xf32>
      %div3A_643 = arith.divf %mul3A_641, %sub3A_642 : vector<16xf32>
      %broadcast_in_dim3A_644 = arith.constant 42 : i32
      %broadcast_in_dim3A_645 = vector.broadcast %broadcast_in_dim3A_644 : i32 to vector<16xi32>
      %add3A_646 = arith.addi %mul3A_454, %broadcast_in_dim3A_645 : vector<16xi32>
      %mul3A_647 = arith.mulf %div3A_643, %gather3A_399 : vector<16xf32>
      tpu.vector_store_idx %arg12[%add3A_646], %mul3A_647 : memref<28672xf32, #tpu.memory_space<vmem>>[vector<16xi32>], vector<16xf32>,
      %broadcast_in_dim3A_648 = arith.constant 43 : i32
      %broadcast_in_dim3A_649 = vector.broadcast %broadcast_in_dim3A_648 : i32 to vector<16xi32>
      %add3A_650 = arith.addi %mul3A_454, %broadcast_in_dim3A_649 : vector<16xi32>
      %mul3A_651 = arith.mulf %div3A_643, %gather3A_405 : vector<16xf32>
      tpu.vector_store_idx %arg12[%add3A_650], %mul3A_651 : memref<28672xf32, #tpu.memory_space<vmem>>[vector<16xi32>], vector<16xf32>,
      %broadcast_in_dim3A_652 = arith.constant 44 : i32
      %broadcast_in_dim3A_653 = vector.broadcast %broadcast_in_dim3A_652 : i32 to vector<16xi32>
      %add3A_654 = arith.addi %mul3A_454, %broadcast_in_dim3A_653 : vector<16xi32>
      %mul3A_655 = arith.mulf %div3A_643, %gather3A_411 : vector<16xf32>
      tpu.vector_store_idx %arg12[%add3A_654], %mul3A_655 : memref<28672xf32, #tpu.memory_space<vmem>>[vector<16xi32>], vector<16xf32>,
      %broadcast_in_dim3A_656 = arith.constant 45 : i32
      %broadcast_in_dim3A_657 = vector.broadcast %broadcast_in_dim3A_656 : i32 to vector<16xi32>
      %add3A_658 = arith.addi %mul3A_454, %broadcast_in_dim3A_657 : vector<16xi32>
      %mul3A_659 = arith.mulf %div3A_643, %gather3A_417 : vector<16xf32>
      tpu.vector_store_idx %arg12[%add3A_658], %mul3A_659 : memref<28672xf32, #tpu.memory_space<vmem>>[vector<16xi32>], vector<16xf32>,
      %broadcast_in_dim3A_660 = arith.constant 46 : i32
      %broadcast_in_dim3A_661 = vector.broadcast %broadcast_in_dim3A_660 : i32 to vector<16xi32>
      %add3A_662 = arith.addi %mul3A_454, %broadcast_in_dim3A_661 : vector<16xi32>
      %mul3A_663 = arith.mulf %div3A_643, %gather3A_423 : vector<16xf32>
      tpu.vector_store_idx %arg12[%add3A_662], %mul3A_663 : memref<28672xf32, #tpu.memory_space<vmem>>[vector<16xi32>], vector<16xf32>,
      %broadcast_in_dim3A_664 = arith.constant 47 : i32
      %broadcast_in_dim3A_665 = vector.broadcast %broadcast_in_dim3A_664 : i32 to vector<16xi32>
      %add3A_666 = arith.addi %mul3A_454, %broadcast_in_dim3A_665 : vector<16xi32>
      %mul3A_667 = arith.mulf %div3A_643, %gather3A_429 : vector<16xf32>
      tpu.vector_store_idx %arg12[%add3A_666], %mul3A_667 : memref<28672xf32, #tpu.memory_space<vmem>>[vector<16xi32>], vector<16xf32>,
      %broadcast_in_dim3A_668 = arith.constant 48 : i32
      %broadcast_in_dim3A_669 = vector.broadcast %broadcast_in_dim3A_668 : i32 to vector<16xi32>
      %add3A_670 = arith.addi %mul3A_454, %broadcast_in_dim3A_669 : vector<16xi32>
      %mul3A_671 = arith.mulf %div3A_643, %gather3A_441 : vector<16xf32>
      tpu.vector_store_idx %arg12[%add3A_670], %mul3A_671 : memref<28672xf32, #tpu.memory_space<vmem>>[vector<16xi32>], vector<16xf32>,
      %mul3A_672 = arith.mulf %gather3A_441, %div3A_451 : vector<16xf32>
      %sub3A_673 = arith.subf %add3A_448, %gather3A_441 : vector<16xf32>
      %div3A_674 = arith.divf %mul3A_672, %sub3A_673 : vector<16xf32>
      %broadcast_in_dim3A_675 = arith.constant 49 : i32
      %broadcast_in_dim3A_676 = vector.broadcast %broadcast_in_dim3A_675 : i32 to vector<16xi32>
      %add3A_677 = arith.addi %mul3A_454, %broadcast_in_dim3A_676 : vector<16xi32>
      %mul3A_678 = arith.mulf %div3A_674, %gather3A_399 : vector<16xf32>
      tpu.vector_store_idx %arg12[%add3A_677], %mul3A_678 : memref<28672xf32, #tpu.memory_space<vmem>>[vector<16xi32>], vector<16xf32>,
      %broadcast_in_dim3A_679 = arith.constant 50 : i32
      %broadcast_in_dim3A_680 = vector.broadcast %broadcast_in_dim3A_679 : i32 to vector<16xi32>
      %add3A_681 = arith.addi %mul3A_454, %broadcast_in_dim3A_680 : vector<16xi32>
      %mul3A_682 = arith.mulf %div3A_674, %gather3A_405 : vector<16xf32>
      tpu.vector_store_idx %arg12[%add3A_681], %mul3A_682 : memref<28672xf32, #tpu.memory_space<vmem>>[vector<16xi32>], vector<16xf32>,
      %broadcast_in_dim3A_683 = arith.constant 51 : i32
      %broadcast_in_dim3A_684 = vector.broadcast %broadcast_in_dim3A_683 : i32 to vector<16xi32>
      %add3A_685 = arith.addi %mul3A_454, %broadcast_in_dim3A_684 : vector<16xi32>
      %mul3A_686 = arith.mulf %div3A_674, %gather3A_411 : vector<16xf32>
      tpu.vector_store_idx %arg12[%add3A_685], %mul3A_686 : memref<28672xf32, #tpu.memory_space<vmem>>[vector<16xi32>], vector<16xf32>,
      %broadcast_in_dim3A_687 = arith.constant 52 : i32
      %broadcast_in_dim3A_688 = vector.broadcast %broadcast_in_dim3A_687 : i32 to vector<16xi32>
      %add3A_689 = arith.addi %mul3A_454, %broadcast_in_dim3A_688 : vector<16xi32>
      %mul3A_690 = arith.mulf %div3A_674, %gather3A_417 : vector<16xf32>
      tpu.vector_store_idx %arg12[%add3A_689], %mul3A_690 : memref<28672xf32, #tpu.memory_space<vmem>>[vector<16xi32>], vector<16xf32>,
      %broadcast_in_dim3A_691 = arith.constant 53 : i32
      %broadcast_in_dim3A_692 = vector.broadcast %broadcast_in_dim3A_691 : i32 to vector<16xi32>
      %add3A_693 = arith.addi %mul3A_454, %broadcast_in_dim3A_692 : vector<16xi32>
      %mul3A_694 = arith.mulf %div3A_674, %gather3A_423 : vector<16xf32>
      tpu.vector_store_idx %arg12[%add3A_693], %mul3A_694 : memref<28672xf32, #tpu.memory_space<vmem>>[vector<16xi32>], vector<16xf32>,
      %broadcast_in_dim3A_695 = arith.constant 54 : i32
      %broadcast_in_dim3A_696 = vector.broadcast %broadcast_in_dim3A_695 : i32 to vector<16xi32>
      %add3A_697 = arith.addi %mul3A_454, %broadcast_in_dim3A_696 : vector<16xi32>
      %mul3A_698 = arith.mulf %div3A_674, %gather3A_429 : vector<16xf32>
      tpu.vector_store_idx %arg12[%add3A_697], %mul3A_698 : memref<28672xf32, #tpu.memory_space<vmem>>[vector<16xi32>], vector<16xf32>,
      %broadcast_in_dim3A_699 = arith.constant 55 : i32
      %broadcast_in_dim3A_700 = vector.broadcast %broadcast_in_dim3A_699 : i32 to vector<16xi32>
      %add3A_701 = arith.addi %mul3A_454, %broadcast_in_dim3A_700 : vector<16xi32>
      %mul3A_702 = arith.mulf %div3A_674, %gather3A_435 : vector<16xf32>
      tpu.vector_store_idx %arg12[%add3A_701], %mul3A_702 : memref<28672xf32, #tpu.memory_space<vmem>>[vector<16xi32>], vector<16xf32>,
      %mul3A_703 = arith.constant 3 : i32
      %mul3A_704 = vector.broadcast %mul3A_703 : i32 to vector<16xi32>
      %mul3A_705 = arith.muli %add3A_386, %mul3A_704 : vector<16xi32>
      %gather3A_706 = tpu.vector_load_idx %arg9[%mul3A_705] : memref<1536xi32, #tpu.memory_space<vmem>>[vector<16xi32>], vector<16xi32>,
      %mul3A_707 = arith.constant 21 : i32
      %mul3A_708 = vector.broadcast %mul3A_707 : i32 to vector<16xi32>
      %mul3A_709 = arith.muli %gather3A_706, %mul3A_708 : vector<16xi32>
      %broadcast_in_dim3A_710 = arith.constant 1 : i32
      %broadcast_in_dim3A_711 = vector.broadcast %broadcast_in_dim3A_710 : i32 to vector<16xi32>
      %add3A_712 = arith.addi %mul3A_705, %broadcast_in_dim3A_711 : vector<16xi32>
      %gather3A_713 = tpu.vector_load_idx %arg9[%add3A_712] : memref<1536xi32, #tpu.memory_space<vmem>>[vector<16xi32>], vector<16xi32>,
      %add3A_714 = arith.addi %mul3A_709, %gather3A_713 : vector<16xi32>
      %gather3A_715 = tpu.vector_load_idx %arg8[%add3A_714] : memref<448xf32, #tpu.memory_space<vmem>>[vector<16xi32>], vector<16xf32>,
      %broadcast_in_dim3A_716 = arith.constant 2 : i32
      %broadcast_in_dim3A_717 = vector.broadcast %broadcast_in_dim3A_716 : i32 to vector<16xi32>
      %add3A_718 = arith.addi %mul3A_705, %broadcast_in_dim3A_717 : vector<16xi32>
      %gather3A_719 = tpu.vector_load_idx %arg9[%add3A_718] : memref<1536xi32, #tpu.memory_space<vmem>>[vector<16xi32>], vector<16xi32>,
      %add3A_720 = arith.addi %mul3A_709, %gather3A_719 : vector<16xi32>
      %gather3A_721 = tpu.vector_load_idx %arg8[%add3A_720] : memref<448xf32, #tpu.memory_space<vmem>>[vector<16xi32>], vector<16xf32>,
      %add3A_722 = arith.addf %gather3A_715, %gather3A_721 : vector<16xf32>
      %div3A_723 = arith.constant 1.000000e+00 : f32
      %div3A_724 = vector.broadcast %div3A_723 : f32 to vector<16xf32>
      %div3A_725 = arith.divf %div3A_724, %add3A_722 : vector<16xf32>
      %mul3A_726 = arith.constant 2 : i32
      %mul3A_727 = vector.broadcast %mul3A_726 : i32 to vector<16xi32>
      %mul3A_728 = arith.muli %add3A_386, %mul3A_727 : vector<16xi32>
      %mul3A_729 = arith.mulf %gather3A_715, %div3A_725 : vector<16xf32>
      tpu.vector_store_idx %arg11[%mul3A_728], %mul3A_729 : memref<1024xf32, #tpu.memory_space<vmem>>[vector<16xi32>], vector<16xf32>,
      %broadcast_in_dim3A_730 = arith.constant 1 : i32
      %broadcast_in_dim3A_731 = vector.broadcast %broadcast_in_dim3A_730 : i32 to vector<16xi32>
      %add3A_732 = arith.addi %mul3A_728, %broadcast_in_dim3A_731 : vector<16xi32>
      %mul3A_733 = arith.mulf %gather3A_721, %div3A_725 : vector<16xf32>
      tpu.vector_store_idx %arg11[%add3A_732], %mul3A_733 : memref<1024xf32, #tpu.memory_space<vmem>>[vector<16xi32>], vector<16xf32>,
    }
    %scan3A_24 = arith.constant 16 : i32
    %mul3A_25 = arith.constant 2 : i32
    %mul3A_26 = arith.muli %mul3A_2, %mul3A_25 : i32
    "tpu.region"() ({
      %run_scoped3A = tpu.sem_alloc : memref<!tpu.dma_semaphore, #tpu.memory_space<semaphore_mem>>
      %dma_start3A_29 = tpu.memref_slice %arg5[%mul3A_26] : memref<32768xf32, #tpu.memory_space<hbm>> -> memref<1024xf32, #tpu.memory_space<hbm>>
      %dma_start3A_30 = tpu.memref_slice %arg5[%mul3A_26] : memref<32768xf32, #tpu.memory_space<hbm>> -> memref<1024xf32, #tpu.memory_space<hbm>>
      tpu.enqueue_dma source(%arg11 : memref<1024xf32, #tpu.memory_space<vmem>>) target(%dma_start3A_30 : memref<1024xf32, #tpu.memory_space<hbm>>) target_semaphore(%run_scoped3A : memref<!tpu.dma_semaphore, #tpu.memory_space<semaphore_mem>>)
      %dma_wait3A_31 = tpu.memref_slice %arg5[%mul3A_26] : memref<32768xf32, #tpu.memory_space<hbm>> -> memref<1024xf32, #tpu.memory_space<hbm>>
      %dma_wait3A_32 = tpu.memref_slice %arg5[%mul3A_26] : memref<32768xf32, #tpu.memory_space<hbm>> -> memref<1024xf32, #tpu.memory_space<hbm>>
      tpu.wait_dma2 semaphore(%run_scoped3A : memref<!tpu.dma_semaphore, #tpu.memory_space<semaphore_mem>>) src(%arg11 : memref<1024xf32, #tpu.memory_space<vmem>>) dst(%dma_wait3A_32 : memref<1024xf32, #tpu.memory_space<hbm>>)
      tpu.yield
    }) : () -> ()
    %mul3A_27 = arith.constant 56 : i32
    %mul3A_28 = arith.muli %mul3A_2, %mul3A_27 : i32
    "tpu.region"() ({
      %run_scoped3A = tpu.sem_alloc : memref<!tpu.dma_semaphore, #tpu.memory_space<semaphore_mem>>
      %dma_start3A_29 = tpu.memref_slice %arg6[%mul3A_28] : memref<917504xf32, #tpu.memory_space<hbm>> -> memref<28672xf32, #tpu.memory_space<hbm>>
      %dma_start3A_30 = tpu.memref_slice %arg6[%mul3A_28] : memref<917504xf32, #tpu.memory_space<hbm>> -> memref<28672xf32, #tpu.memory_space<hbm>>
      tpu.enqueue_dma source(%arg12 : memref<28672xf32, #tpu.memory_space<vmem>>) target(%dma_start3A_30 : memref<28672xf32, #tpu.memory_space<hbm>>) target_semaphore(%run_scoped3A : memref<!tpu.dma_semaphore, #tpu.memory_space<semaphore_mem>>)
      %dma_wait3A_31 = tpu.memref_slice %arg6[%mul3A_28] : memref<917504xf32, #tpu.memory_space<hbm>> -> memref<28672xf32, #tpu.memory_space<hbm>>
      %dma_wait3A_32 = tpu.memref_slice %arg6[%mul3A_28] : memref<917504xf32, #tpu.memory_space<hbm>> -> memref<28672xf32, #tpu.memory_space<hbm>>
      tpu.wait_dma2 semaphore(%run_scoped3A : memref<!tpu.dma_semaphore, #tpu.memory_space<semaphore_mem>>) src(%arg12 : memref<28672xf32, #tpu.memory_space<vmem>>) dst(%dma_wait3A_32 : memref<28672xf32, #tpu.memory_space<hbm>>)
      tpu.yield
    }) : () -> ()
    return
  }
}

</mosaic_0001>

<sc_bundles>
// kernel: kernel.3.cloned.1.call-start
scs
__scs_entry_jumppad:
0x0: {  	(pc) =	sbr.rel $0x88, $3  }
0x1: {  	(tag) =	ssettag $0x0;
	lr =	simm.s32 $0x1  }
0x2: {  	[smem:$0x3F9E] =	sst lr;
	_ =	strace $0xD0000000  }
0x3: {  	_ = 	snop  }
0x4: {  	_ = 	snop  }
0x5: {  	_ = 	snop  }
0x6: {  	_ = 	snop  }
0x7: {  	_ = 	snop  }
__scs_overlays_trampoline_lowered:
0x8: {  	[smem:$0x3FAD] =	sst s0  }
0x9: {  	[smem:$0x3FAE] =	sst s1  }
0xa: {  	[smem:$0x3FAF] =	sst s2  }
0xb: {  	[smem:$0x3FB0] =	sst s3  }
0xc: {  	[smem:$0x3FB1] =	sst s4  }
0xd: {  	[smem:$0x3FB2] =	sst s5  }
0xe: {  	[smem:$0x3FB3] =	sst s6  }
0xf: {  	[smem:$0x3FB4] =	sst s7  }
0x10: {  	[smem:$0x3FB5] =	sst s8  }
0x11: {  	[smem:$0x3FB6] =	sst s9;
	s0 =	simm.s32 @!p0 $0x0  }
0x12: {  	s1 =	sld [smem:$0x3F9C];
	s0 =	simm.s32 @p0 $0x1  }
0x13: {  	[smem:$0x3FB7] =	sst s0;
	s0 =	simm.s32 @!p1 $0x0  }
0x14: {  	s2 =	sld [smem:$0x3F9B];
	s0 =	simm.s32 @p1 $0x1  }
0x15: {  	[smem:$0x3FB8] =	sst s0;
	s0 =	simm.s32 @!p2 $0x0  }
0x16: {  	s3 =	sld [smem:$0x3FDB];
	s0 =	simm.s32 @p2 $0x1  }
0x17: {  	s4 =	simm.s32 $0x1BF5;
	[smem:$0x3FBA] =	sst s0  }
0x18: {  	s0 =	sld [smem:$0x3F9D];
	_ =	swait.ge [sflag:s4], $0x0  }
0x19: {  	s7 =	sld [smem:$0x3F9E]  }
0x1a: {  	s8 =	sadd.s32 $0xFFFFE003, lr  }
0x1b: {  	s9 =	sadd.s32 $0xFFFFFEF7, lr;
	s5 =	simm.s32 $0xFFFFFFFF;
	p2 =	slt.u32 s8, $0xFFFFF086  }
0x1c: {  	p1 =	slt.u32 s9, $0xF7A;
	s5 =	simm.s32 @!p2 $0x0  }
0x1d: {  	s5 =	simm.s32 @p1 $0x1;
	p0 =	seq.s32 s7, s2  }
0x1e: {  	s7 =	smul.u32 @!p0 $0xF7A, s2;
	p2 =	seq.s32 @!p0 s5, $0x0  }
0x1f: {  	s9 =	smul.u32 $0xF7A, s1;
	s8 =	simm.s32 @!p0 $0x1BF5;
	p2 =	por !p2, p0  }
0x20: {  	[sflag:s8] =	ssyncset.s32 @!p0 $0xFFFFF086;
	s6 =	sadd.s32 @!p0 s3, s7;
	s7 =	simm.s32 @!p0 $0x108  }
0x21: {  	s3 =	sadd.s32 s3, s9;
	s6 =	sadd.s32 @!p0 $0x88, s6;
	s7 =	simm.s32 @p2 $0x1082  }
0x22: {  	[simem:s7], [sflag:s8] =	dma.local @!p0 [hbm:s6], $0xF7A  }
0x23: {  	s9 =	sor.u32 $0xD0000000, s2;
	s6 =	simm.s32 $0x108;
	_ =	swait.ge @!p0 [sflag:s8], $0x0  }
0x24: {  	s3 =	sadd.s32 $0x88, s3;
	s6 =	simm.s32 @!p1 $0x1082;
	[sflag:s4] =	ssyncset.s32 $0xFFFFF086  }
0x25: {  	[simem:s6], [sflag:s4] =	dma.local [hbm:s3], $0xF7A  }
0x26: {  	[smem:$0x3F9E] =	sst s1;
	(tag) =	ssettag s2;
	_ =	strace s9  }
0x27: {  	s1 =	sld [smem:$0x3FAE]  }
0x28: {  	s2 =	sld [smem:$0x3FAF]  }
0x29: {  	s4 =	sld [smem:$0x3FB1]  }
0x2a: {  	p0 =	seq.s32 s5, $0x0;
	s5 =	sld [smem:$0x3FB2]  }
0x2b: {  	s6 =	sld [smem:$0x3FB3]  }
0x2c: {  	s7 =	sld [smem:$0x3FB4]  }
0x2d: {  	s3 =	simm.s32 $0x108;
	s8 =	sld [smem:$0x3FB5]  }
0x2e: {  	s3 =	simm.s32 @!p0 $0x1082;
	s9 =	sld [smem:$0x3FB6]  }
0x2f: {  	lr =	sadd.s32 s0, s3;
	s0 =	sld [smem:$0x3FAD]  }
0x30: {  	s3 =	sld [smem:$0x3FB0]  }
0x31: {  	[smem:$0x3FB9] =	sst s10  }
0x32: {  	s10 =	sld [smem:$0x3FB7];
	_ =	sdelay $0x3  }
0x33: {  	p0 =	seq.s32 s10, $0x1;
	s10 =	sld [smem:$0x3FB9];
	_ =	sdelay $0x3  }
0x34: {  	[smem:$0x3FB9] =	sst s10  }
0x35: {  	s10 =	sld [smem:$0x3FB8];
	_ =	sdelay $0x3  }
0x36: {  	p1 =	seq.s32 s10, $0x1;
	s10 =	sld [smem:$0x3FB9];
	_ =	sdelay $0x3  }
0x37: {  	[smem:$0x3FB9] =	sst s10  }
0x38: {  	s10 =	sld [smem:$0x3FBA]  }
0x39: {  	_ = 	snop;
	(pc) =	sbr.ind lr, $3  }
0x3a: {  	_ = 	snop  }
0x3b: {  	_ = 	snop  }
0x3c: {  	p2 =	seq.s32 s10, $0x1;
	s10 =	sld [smem:$0x3FB9]  }
0x3d: {  	_ =	shalt  }
0x3e: {  	_ =	shalt  }
0x3f: {  	_ =	shalt  }
0x40: {  	_ =	shalt  }
0x41: {  	_ =	shalt  }
0x42: {  	_ =	shalt  }
0x43: {  	_ =	shalt  }
0x44: {  	_ =	shalt  }
0x45: {  	_ =	shalt  }
0x46: {  	_ =	shalt  }
0x47: {  	_ =	shalt  }
0x48: {  	_ =	shalt  }
0x49: {  	_ =	shalt  }
0x4a: {  	_ =	shalt  }
0x4b: {  	_ =	shalt  }
0x4c: {  	_ =	shalt  }
0x4d: {  	_ =	shalt  }
0x4e: {  	_ =	shalt  }
0x4f: {  	_ =	shalt  }
0x50: {  	_ =	shalt  }
0x51: {  	_ =	shalt  }
0x52: {  	_ =	shalt  }
0x53: {  	_ =	shalt  }
0x54: {  	_ =	shalt  }
0x55: {  	_ =	shalt  }
0x56: {  	_ =	shalt  }
0x57: {  	_ =	shalt  }
0x58: {  	_ =	shalt  }
0x59: {  	_ =	shalt  }
0x5a: {  	_ =	shalt  }
0x5b: {  	_ =	shalt  }
0x5c: {  	_ =	shalt  }
0x5d: {  	_ =	shalt  }
0x5e: {  	_ =	shalt  }
0x5f: {  	_ =	shalt  }
0x60: {  	_ =	shalt  }
0x61: {  	_ =	shalt  }
0x62: {  	_ =	shalt  }
0x63: {  	_ =	shalt  }
0x64: {  	_ =	shalt  }
0x65: {  	_ =	shalt  }
0x66: {  	_ =	shalt  }
0x67: {  	_ =	shalt  }
0x68: {  	_ =	shalt  }
0x69: {  	_ =	shalt  }
0x6a: {  	_ =	shalt  }
0x6b: {  	_ =	shalt  }
0x6c: {  	_ =	shalt  }
0x6d: {  	_ =	shalt  }
0x6e: {  	_ =	shalt  }
0x6f: {  	_ =	shalt  }
0x70: {  	_ =	shalt  }
0x71: {  	_ =	shalt  }
0x72: {  	_ =	shalt  }
0x73: {  	_ =	shalt  }
0x74: {  	_ =	shalt  }
0x75: {  	_ =	shalt  }
0x76: {  	_ =	shalt  }
0x77: {  	_ =	shalt  }
0x78: {  	_ =	shalt  }
0x79: {  	_ =	shalt  }
0x7a: {  	_ =	shalt  }
0x7b: {  	_ =	shalt  }
0x7c: {  	_ =	shalt  }
0x7d: {  	_ =	shalt  }
0x7e: {  	_ =	shalt  }
0x7f: {  	_ =	shalt  }
0x80: {  	_ =	shalt  }
0x81: {  	_ =	shalt  }
0x82: {  	_ =	shalt  }
0x83: {  	_ =	shalt  }
0x84: {  	_ =	shalt  }
0x85: {  	_ =	shalt  }
0x86: {  	_ =	shalt  }
0x87: {  	_ =	shalt  }
.Lfunc_end0:
.L_simem_size_0:
called_computation_lowered:
.L_overlay_start_0:
0x88: {  	s2 =	sld [smem:$0x3FD9]  }
0x89: {  	s3 =	sld [smem:$0x3FFE];
	_ =	sdelay $0x1  }
0x8a: {  	s1 =	srdreg.scid  }
0x8b: {  	s0 =	sand.u32 $0x1, s1  }
0x8c: {  	s14 =	sshll.u32 s0, $0xA;
	s2 =	sadd.s32 s3, s2  }
0x8d: {  	s2 =	sadd.s32 s2, s14  }
0x8e: {  	[smem:$0x3FC5] =	sst s2  }
0x8f: {  	_ = 	snop  }
0x90: {  	s2 =	sld [smem:$0x3FD0];
	_ =	sdelay $0x2  }
0x91: {  	s15 =	simm.s32 $0xA;
	s4 =	simm.s32 $0x10  }
0x92: {  	[smem:s4], [sflag:s15] =	dma.local [hbm:s2], $0x1  }
0x93: {  	_ =	swait.eq [sflag:s15], $0x1  }
0x94: {  	[sflag:s15] =	ssyncset.done $0x0  }
0x95: {  	s16 =	sld [smem:$0x10];
	[sflag:s15] =	ssyncadd.s32 $0xFFFFFFFF  }
0x96: {  	s17 =	sld [smem:$0x11];
	(tm) =	ssettm $0x1  }
0x97: {  	s18 =	sld [smem:$0x3FFB];
	_ =	sdelay $0x3  }
0x98: {  	_ =	strace s18  }
0x99: {  	s4 =	sld [smem:$0x3FFC];
	_ =	sdelay $0x3  }
0x9a: {  	_ =	strace s4  }
0x9b: {  	s4 =	sld [smem:$0x3FFD];
	_ =	sdelay $0x3  }
0x9c: {  	_ =	strace s4  }
0x9d: {  	_ =	strace $0x8FFFFFFF  }
0x9e: {  	s19 =	sld [smem:$0x3FDB];
	_ =	sdelay $0x1  }
0x9f: {  	s5 =	simm.s32 $_scs_section_size  }
0xa0: {  	s6 =	simm.s32 $_size__tile_overlayer_lowered;
	s7 =	simm.s32 $_tile_overlayer_lowered  }
0xa1: {  	s22 =	simm.s32 $0x1BFF;
	s21 =	sshll.u32 s7, $0x1;
	s4 =	sadd.s32 s5, s19  }
0xa2: {  	s8 =	simm.s32 $0x0;
	s20 =	sshll.u32 s6, $0x1;
	s6 =	sadd.s32 s21, s4  }
0xa3: {  	[timem:s8], [sflag:s22] =	dma.local [hbm:s6], s20  }
0xa4: {  	_ =	swait.ge [sflag:s22], s20  }
0xa5: {  	s5 =	ssub.s32 $0x0, s20;
	[sflag:s22] =	ssyncset.done $0x0  }
0xa6: {  	[sflag:s22] =	ssyncadd.s32 s5;
	_ =	sdelay $0x1  }
0xa7: {  	s23 =	simm.s32 $0x1B8B  }
0xa8: {  	_ =	swait.ge [sflag:s23], $0x1  }
0xa9: {  	[sflag:s23] =	ssyncset.done $0x0  }
0xaa: {  	s25 =	simm.s32 $0x1B8E;
	s24 =	sld [smem:$0x3FFE];
	[sflag:s23] =	ssyncadd.s32 $0xFFFFFFFF  }
0xab: {  	s26 =	simm.s32 $execute0_lowered;
	[smem:$0x3FD2] =	sst s25  }
0xac: {  	s6 =	sshll.u32 s26, $0x1;
	_ =	strace $0x80000046;
	[dreg:$0x1] =	wrdreg $0xFFFFFFFF  }
0xad: {  	s28 =	simm.s32 $_size_execute0_lowered;
	s4 =	sadd.s32 s4, s6;
	[dreg:$0x0] =	wrdreg $0x0  }
0xae: {  	s6 =	sshll.u32 s28, $0x1;
	[dreg:$0x2] =	wrdreg s4  }
0xaf: {  	[dreg:$0x3] =	wrdreg s6  }
0xb0: {  	[dreg:$0x4] =	wrdreg $0xC0  }
0xb1: {  	_ =	task [dreg:s8], $0x5FFFF  }
0xb2: {  	[dreg:$0x1] =	wrdreg $0xFFFFFFFF  }
0xb3: {  	[dreg:$0x0] =	wrdreg $0x60  }
0xb4: {  	[dreg:$0x2] =	wrdreg s24  }
0xb5: {  	[dreg:$0x3] =	wrdreg s16  }
0xb6: {  	[dreg:$0x4] =	wrdreg s17  }
0xb7: {  	[dreg:$0x5] =	wrdreg $0x9  }
0xb8: {  	_ =	task.clear_ibuf [dreg:s8], $0x6FFFF;
	_ =	strace $0x90000046  }
0xb9: {  	s29 =	simm.s32 $0x9;
	_ =	strace $0x80000048  }
0xba: {  	_ =	swait.ge [sflag:s29], $0x1  }
0xbb: {  	[sflag:s29] =	ssyncadd.s32 $0xFFFFFFFF  }
0xbc: {  	_ =	strace $0x90000048  }
0xbd: {  	_ =	sfence  }
0xbe: {  	s30 =	sld [smem:$0x0];
	_ =	sdelay $0x2  }
0xbf: {  	s31 =	sshll.u32 s1, $0xD;
	s1 =	sshrl.u32 s1, $0x2  }
0xc0: {  	s3 =	sand.u32 $0x4000, s31;
	s1 =	sadd.s32 s1, s30  }
0xc1: {  	s0 =	sor.u32 s3, s0;
	s1 =	sshll.u32 s1, $0x11  }
0xc2: {  	s0 =	sor.u32 s1, s0  }
0xc3: {  	s0 =	sadd.s32 $0x8F2B, s0  }
0xc4: {  	[sflag:s0] =	ssyncadd.remote.s32 $0x1  }
0xc5: {  	_ =	sfence.sel $0xFFFF  }
0xc6: {  	[dreg:$0x0] =	wrdreg $0xFFFFFFFF;
	(pc) =	sbr.abs _section_cstart, $3  }
0xc7: {  	[dreg:$0x1] =	wrdreg $0xFFFFFFFF  }
0xc8: {  	_ =	task.clear_ibuf [dreg:s8], $0x2FFFF;
	_ =	strace $0x9FFFFFFF  }
0xc9: {  	(tm) =	ssettm $0x7FFFFFFF  }
tec
execute0_lowered:
.L_overlay_start_1:
0x0: {  	(tag) =	ssettag $0x1  }
0x1: {  	s3 =	rddreg [dreg:$0x0]  }
0x2: {  	s1 =	srdreg.scid;
	s6 =	rddreg [dreg:$0x1]  }
0x3: {  	s0 =	stileid.u32;
	s7 =	rddreg [dreg:$0x2]  }
0x4: {  	s2 =	simm.s32 $0x0;
	s12 =	simm.s32 $0x1;
	s13 =	simm.s32 $0x80  }
0x5: {  	s14 =	simm.s32 $0x1E80;
	s4 =	sand.u32 $0x1, s1;
	s30 =	sshll.u32 s0, $0x1  }
0x6: {  	s15 =	simm.s32 $0x1A80;
	s1 =	rddreg [dreg:$0x3];
	s5 =	sor.u32 s4, s30  }
0x7: {  	s16 =	simm.s32 $0x0;
	[smem:$0x7FF] =	sst s2;
	s8 =	smul.u32 $0xC0, s5  }
0x8: {  	_ =	strace $0x80000047;
	s4 =	ssub.s32 $0x2, s4;
	s9 =	smul.u32 $0x240, s5  }
0x9: {  	s10 =	sshrl.u32 s4, $0x1;
	s11 =	smul.u32 $0xE00, s5;
	s31 =	sshll.u32 s5, $0x7  }
0xa: {  	s10 =	ssub.s32 s4, s10;
	s6 =	sadd.s32 s6, s31;
	s8 =	sadd.s32 s8, s3  }
0xb: {  	s9 =	sadd.s32 s9, s3;
	s3 =	sadd.s32 $0x6C00, s3;
	s7 =	sadd.s32 s7, s11  }
0xc: {  	s11 =	simm.s32 $0x880;
	s4 =	sadd.s32 $0xC00, s8;
	s5 =	sadd.s32 $0x2400, s9  }
0xd: {  	v0 =	vlaneseq.u32;
	v1 =	vimm.s32 $0x0;
	s8 =	smax.u32 s10, $0x1;
	s9 =	simm.s32 $0x2;
	s10 =	simm.s32 $0x280  }
.LBB2_1:
0xe: {  	v2 =	vor.u32 s2, v0  }
0xf: {  	v3 =	vmulhi.u32 $0x86186187, v2;
	_ =	sdelay $0x1  }
0x10: {  	v4 =	vsub.s32 v2, v3  }
0x11: {  	v4 =	vshrl.u32 v4, $0x1  }
0x12: {  	v3 =	vadd.s32 v3, v4  }
0x13: {  	v3 =	vshrl.u32 v3, $0x4  }
0x14: {  	v4 =	vmul.u32 $0xFFFFFFEB, v3;
	_ =	sdelay $0x1  }
0x15: {  	v5 =	vmov s2;
	v2 =	vadd.s32 v2, v4  }
0x16: {  	vm0 =	veq.s32 v5, v0;
	vm1 =	vne.s32 v2, $0x0  }
0x17: {  	[tilespmem:s2], [sflag:$0x2] =	stream.linear.gather [hbm4b:s3+s2], $0x80, $0x38;
	vm0 =	vmand vm0, vm1;
	[tilespmem:$0x8E80] =	vst v63  }
0x18: {  	_ =	swait.ge [sflag:s9], $0x80;
	v2 =	vmul.u32 $0x3, v2;
	v4 =	vsel vm0, $0xFFFFFFFF, v1  }
0x19: {  	[sflag:s9] =	ssyncset.done $0x0;
	v3 =	vadd.s32 v4, v3  }
0x1a: {  	[sflag:s9] =	ssyncadd.s32 $0xFFFFFF80;
	v4 =	vadd.s32 $0x1, v2;
	v3 =	vmul.u32 $0x3, v3  }
0x1b: {  	[tilespmem:s10], [sflag:$0x1] =	stream.linear.gather [hbm4b:s4+s2], $0x600, $0x38;
	[tilespmem:$0x8E80] =	vst v63  }
0x1c: {  	v5 =	vadd.s32 $0x1, v3  }
0x1d: {  	[tilespmem:s11], [sflag:$0x1] =	stream.linear.gather [hbm4b:s5+s2], $0x1200, $0x38;
	v6 =	vadd.s32 $0x2, v2;
	[tilespmem:$0x8E80] =	vst v63  }
0x1e: {  	v7 =	vadd.s32 $0x2, v3;
	v2 =	vld.idx.msk [tilespmem:v2+s2+$0x0], $0xffff  }
0x1f: {  	v4 =	vld.idx.msk [tilespmem:v4+s2+$0x0], $0xffff  }
0x20: {  	v3 =	vld.idx.msk [tilespmem:v3+s2+$0x0], $0xffff  }
0x21: {  	v5 =	vld.idx.msk [tilespmem:v5+s2+$0x0], $0xffff  }
0x22: {  	v6 =	vld.idx.msk [tilespmem:v6+s2+$0x0], $0xffff  }
0x23: {  	v7 =	vld.idx.msk [tilespmem:v7+s2+$0x0], $0xffff;
	_ =	sdelay $0x2  }
0x24: {  	v2 =	vsub.f32 v3, v2;
	v3 =	vsub.f32 v5, v4;
	_ =	sdelay $0x1  }
0x25: {  	v4 =	vsub.f32 v7, v6;
	v2 =	vmul.f32 v2, v2;
	v3 =	vmul.f32 v3, v3;
	_ =	sdelay $0x1  }
0x26: {  	v2 =	vadd.f32 v3, v2;
	v3 =	vmul.f32 v4, v4;
	_ =	sdelay $0x1  }
0x27: {  	v2 =	vadd.f32 v3, v2;
	_ =	sdelay $0x1  }
0x28: {  	v3 =	vshra.s32 v2, $0x1;
	v4 =	vmul.f32 $5.000000000e-01, v2  }
0x29: {  	v3 =	vsub.s32 $0x5F3759DF, v3  }
0x2a: {  	v5 =	vmul.f32 v3, v4;
	_ =	sdelay $0x1  }
0x2b: {  	v5 =	vmul.f32 v3, v5;
	_ =	sdelay $0x1  }
0x2c: {  	v5 =	vsub.f32 $1.500000000e+00, v5;
	_ =	sdelay $0x1  }
0x2d: {  	v3 =	vmul.f32 v3, v5;
	_ =	sdelay $0x1  }
0x2e: {  	v5 =	vmul.f32 v3, v4;
	_ =	sdelay $0x1  }
0x2f: {  	v5 =	vmul.f32 v5, v3;
	_ =	sdelay $0x1  }
0x30: {  	v5 =	vsub.f32 $1.500000000e+00, v5;
	_ =	sdelay $0x1  }
0x31: {  	v3 =	vmul.f32 v5, v3;
	_ =	sdelay $0x1  }
0x32: {  	v4 =	vmul.f32 v3, v4;
	_ =	sdelay $0x1  }
0x33: {  	v4 =	vmul.f32 v4, v3;
	_ =	sdelay $0x1  }
0x34: {  	v4 =	vsub.f32 $1.500000000e+00, v4;
	_ =	sdelay $0x1  }
0x35: {  	v3 =	vmul.f32 v4, v3  }
0x36: {  	s17 =	simm.s32 $0x10  }
0x37: {  	v4 =	vor.u32 s17, v0;
	v3 =	vmul.f32 v3, v2  }
0x38: {  	v5 =	vmulhi.u32 $0x86186187, v4  }
0x39: {  	v3 =	vmul.f32 $-1.000000000e+01, v3  }
0x3a: {  	v6 =	vsub.s32 v4, v5  }
0x3b: {  	v6 =	vshrl.u32 v6, $0x1;
	v3 =	vmul.f32 $1.442695020e+00, v3  }
0x3c: {  	vm13 =	vgt.f32 v2, $0.0e+00;
	v5 =	vadd.s32 v5, v6  }
0x3d: {  	v2 =	vshrl.u32 v5, $0x4;
	v3 =	vnsel vm13, $0x80000000, v3  }
0x3e: {  	v5 =	vmul.u32 $0xFFFFFFEB, v2;
	(erf) = vpow2.f32 v3;
	_ =	sdelay $0x1  }
0x3f: {  	v3 =	vmov s17;
	v4 =	vadd.s32 v4, v5  }
0x40: {  	vm14 =	veq.s32 v3, v0;
	vm15 =	vne.s32 v4, $0x0  }
0x41: {  	vm0 =	vmand vm14, vm15  }
0x42: {  	v3 =	vsel vm0, $0xFFFFFFFF, v1  }
0x43: {  	v2 =	vadd.s32 v3, v2;
	v3 =	vmul.u32 $0x3, v4  }
0x44: {  	v2 =	vmul.u32 $0x3, v2  }
0x45: {  	v4 =	vadd.s32 $0x1, v3  }
0x46: {  	v5 =	vadd.s32 $0x1, v2;
	v6 =	vpop (erf)  }
0x47: {  	v6 =	vadd.f32 $1.000000050e-03, v6;
	_ =	sdelay $0x1  }
0x48: {  	v7 =	vadd.s32 $0x2, v3;
	[tilespmem:s13+$0x0] =	vst v6  }
0x49: {  	v6 =	vadd.s32 $0x2, v2;
	v4 =	vld.idx.msk [tilespmem:v4+s2+$0x0], $0xffff  }
0x4a: {  	v5 =	vld.idx.msk [tilespmem:v5+s2+$0x0], $0xffff  }
0x4b: {  	v3 =	vld.idx.msk [tilespmem:v3+s2+$0x0], $0xffff  }
0x4c: {  	v2 =	vld.idx.msk [tilespmem:v2+s2+$0x0], $0xffff  }
0x4d: {  	v7 =	vld.idx.msk [tilespmem:v7+s2+$0x0], $0xffff  }
0x4e: {  	v6 =	vld.idx.msk [tilespmem:v6+s2+$0x0], $0xffff;
	_ =	sdelay $0x2  }
0x4f: {  	v2 =	vsub.f32 v2, v3;
	v3 =	vsub.f32 v5, v4;
	_ =	sdelay $0x1  }
0x50: {  	v2 =	vmul.f32 v2, v2;
	v3 =	vmul.f32 v3, v3;
	v4 =	vsub.f32 v6, v7;
	_ =	sdelay $0x1  }
0x51: {  	v2 =	vadd.f32 v3, v2;
	v3 =	vmul.f32 v4, v4;
	_ =	sdelay $0x1  }
0x52: {  	v2 =	vadd.f32 v3, v2;
	_ =	sdelay $0x1  }
0x53: {  	v3 =	vshra.s32 v2, $0x1;
	v4 =	vmul.f32 $5.000000000e-01, v2  }
0x54: {  	v3 =	vsub.s32 $0x5F3759DF, v3  }
0x55: {  	v5 =	vmul.f32 v3, v4;
	_ =	sdelay $0x1  }
0x56: {  	v5 =	vmul.f32 v3, v5;
	_ =	sdelay $0x1  }
0x57: {  	v5 =	vsub.f32 $1.500000000e+00, v5;
	_ =	sdelay $0x1  }
0x58: {  	v3 =	vmul.f32 v3, v5;
	_ =	sdelay $0x1  }
0x59: {  	v5 =	vmul.f32 v3, v4;
	_ =	sdelay $0x1  }
0x5a: {  	v5 =	vmul.f32 v5, v3;
	_ =	sdelay $0x1  }
0x5b: {  	v5 =	vsub.f32 $1.500000000e+00, v5;
	_ =	sdelay $0x1  }
0x5c: {  	v3 =	vmul.f32 v5, v3;
	_ =	sdelay $0x1  }
0x5d: {  	v4 =	vmul.f32 v3, v4;
	_ =	sdelay $0x1  }
0x5e: {  	v4 =	vmul.f32 v4, v3;
	_ =	sdelay $0x1  }
0x5f: {  	v4 =	vsub.f32 $1.500000000e+00, v4;
	_ =	sdelay $0x1  }
0x60: {  	v3 =	vmul.f32 v4, v3  }
0x61: {  	s18 =	simm.s32 $0x20  }
0x62: {  	v5 =	vmul.f32 v3, v2;
	v3 =	vor.u32 s18, v0  }
0x63: {  	v4 =	vmulhi.u32 $0x86186187, v3  }
0x64: {  	s19 =	simm.s32 $0x30;
	s17 =	simm.s32 $0x80;
	v5 =	vmul.f32 $-1.000000000e+01, v5  }
.LBB2_2:
0x65: {  	p0 =	sne.s32 s19, $0x1B0;
	v6 =	vsub.s32 v3, v4  }
0x66: {  	v6 =	vshrl.u32 v6, $0x1;
	v5 =	vmul.f32 $1.442695020e+00, v5  }
0x67: {  	vm0 =	vgt.f32 v2, $0.0e+00;
	v4 =	vadd.s32 v4, v6  }
0x68: {  	v2 =	vshrl.u32 v4, $0x4;
	v4 =	vnsel vm0, $0x80000000, v5  }
0x69: {  	v5 =	vmul.u32 $0xFFFFFFEB, v2;
	(erf) = vpow2.f32 v4;
	_ =	sdelay $0x1  }
0x6a: {  	v4 =	vmov s18;
	s18 =	smov.u32 s19;
	v3 =	vadd.s32 v3, v5  }
0x6b: {  	vm0 =	veq.s32 v4, v0;
	vm1 =	vne.s32 v3, $0x0  }
0x6c: {  	vm0 =	vmand vm0, vm1  }
0x6d: {  	v4 =	vsel vm0, $0xFFFFFFFF, v1  }
0x6e: {  	v3 =	vmul.u32 $0x3, v3;
	v2 =	vadd.s32 v4, v2  }
0x6f: {  	v2 =	vmul.u32 $0x3, v2  }
0x70: {  	v4 =	vadd.s32 $0x1, v3  }
0x71: {  	v5 =	vadd.s32 $0x1, v2;
	v6 =	vpop (erf)  }
0x72: {  	v6 =	vadd.f32 $1.000000050e-03, v6  }
0x73: {  	s17 =	sadd.s32 $0x10, s17  }
0x74: {  	v7 =	vadd.s32 $0x2, v3;
	[tilespmem:s17+$0x0] =	vst v6  }
0x75: {  	v6 =	vadd.s32 $0x2, v2;
	v4 =	vld.idx.msk [tilespmem:v4+s2+$0x0], $0xffff  }
0x76: {  	v5 =	vld.idx.msk [tilespmem:v5+s2+$0x0], $0xffff  }
0x77: {  	v3 =	vld.idx.msk [tilespmem:v3+s2+$0x0], $0xffff  }
0x78: {  	v2 =	vld.idx.msk [tilespmem:v2+s2+$0x0], $0xffff  }
0x79: {  	v7 =	vld.idx.msk [tilespmem:v7+s2+$0x0], $0xffff  }
0x7a: {  	v6 =	vld.idx.msk [tilespmem:v6+s2+$0x0], $0xffff;
	_ =	sdelay $0x3  }
0x7b: {  	v2 =	vsub.f32 v2, v3;
	v3 =	vsub.f32 v5, v4;
	_ =	sdelay $0x1  }
0x7c: {  	v2 =	vmul.f32 v2, v2;
	v3 =	vmul.f32 v3, v3;
	v4 =	vsub.f32 v6, v7;
	_ =	sdelay $0x1  }
0x7d: {  	v2 =	vadd.f32 v3, v2;
	v3 =	vmul.f32 v4, v4;
	_ =	sdelay $0x1  }
0x7e: {  	v2 =	vadd.f32 v3, v2;
	_ =	sdelay $0x1  }
0x7f: {  	v3 =	vshra.s32 v2, $0x1;
	v4 =	vmul.f32 $5.000000000e-01, v2  }
0x80: {  	v3 =	vsub.s32 $0x5F3759DF, v3  }
0x81: {  	v5 =	vmul.f32 v3, v4;
	_ =	sdelay $0x1  }
0x82: {  	v5 =	vmul.f32 v3, v5;
	_ =	sdelay $0x1  }
0x83: {  	v5 =	vsub.f32 $1.500000000e+00, v5;
	_ =	sdelay $0x1  }
0x84: {  	v3 =	vmul.f32 v3, v5;
	_ =	sdelay $0x1  }
0x85: {  	v5 =	vmul.f32 v3, v4;
	_ =	sdelay $0x1  }
0x86: {  	v5 =	vmul.f32 v5, v3;
	_ =	sdelay $0x1  }
0x87: {  	v5 =	vsub.f32 $1.500000000e+00, v5;
	_ =	sdelay $0x1  }
0x88: {  	v3 =	vmul.f32 v5, v3;
	_ =	sdelay $0x1  }
0x89: {  	v4 =	vmul.f32 v3, v4;
	_ =	sdelay $0x1  }
0x8a: {  	v4 =	vmul.f32 v4, v3;
	_ =	sdelay $0x1  }
0x8b: {  	v4 =	vsub.f32 $1.500000000e+00, v4;
	_ =	sdelay $0x1  }
.Ltmp0:
0x8c: {  	v4 =	vmul.f32 v4, v3;
	(pc) =	sbr.rel @p0 .LBB2_2-.Ltmp0, $4  }
0x8d: {  	_ = 	snop  }
0x8e: {  	v3 =	vor.u32 s19, v0;
	v5 =	vmul.f32 v4, v2  }
0x8f: {  	v4 =	vmulhi.u32 $0x86186187, v3  }
0x90: {  	s19 =	sadd.s32 $0x10, s19;
	v5 =	vmul.f32 $-1.000000000e+01, v5  }
0x91: {  	_ = 	snop  }
0x92: {  	v5 =	vmul.f32 $1.442695020e+00, v5  }
0x93: {  	v6 =	vsub.s32 v3, v4;
	vm0 =	vgt.f32 v2, $0.0e+00  }
0x94: {  	v6 =	vshrl.u32 v6, $0x1;
	v53 =	vnsel vm0, $0x80000000, v5  }
0x95: {  	v52 =	vadd.s32 v4, v6;
	(erf) = vpow2.f32 v53  }
0x96: {  	v2 =	vshrl.u32 v52, $0x4  }
0x97: {  	v54 =	vmul.u32 $0xFFFFFFEB, v2;
	_ =	sdelay $0x1  }
0x98: {  	v55 =	vmov s18;
	v3 =	vadd.s32 v3, v54  }
0x99: {  	vm14 =	veq.s32 v55, v0;
	vm1 =	vne.s32 v3, $0x0  }
0x9a: {  	v3 =	vmul.u32 $0x3, v3;
	vm0 =	vmand vm14, vm1  }
0x9b: {  	v56 =	vsel vm0, $0xFFFFFFFF, v1  }
0x9c: {  	v57 =	vadd.s32 $0x1, v3;
	v2 =	vadd.s32 v56, v2  }
0x9d: {  	v2 =	vmul.u32 $0x3, v2;
	v59 =	vpop (erf)  }
0x9e: {  	v6 =	vadd.f32 $1.000000050e-03, v59  }
0x9f: {  	s17 =	sadd.s32 $0x10, s17;
	v58 =	vadd.s32 $0x1, v2  }
0xa0: {  	v7 =	vadd.s32 $0x2, v3;
	[tilespmem:s17+$0x0] =	vst v6  }
0xa1: {  	v60 =	vadd.s32 $0x2, v2;
	v4 =	vld.idx.msk [tilespmem:v57+s2+$0x0], $0xffff  }
0xa2: {  	v3 =	vld.idx.msk [tilespmem:v3+s2+$0x0], $0xffff  }
0xa3: {  	v2 =	vld.idx.msk [tilespmem:v2+s2+$0x0], $0xffff  }
0xa4: {  	v5 =	vld.idx.msk [tilespmem:v58+s2+$0x0], $0xffff  }
0xa5: {  	v7 =	vld.idx.msk [tilespmem:v7+s2+$0x0], $0xffff  }
0xa6: {  	v6 =	vld.idx.msk [tilespmem:v60+s2+$0x0], $0xffff;
	_ =	sdelay $0x2  }
0xa7: {  	v2 =	vsub.f32 v2, v3;
	v3 =	vsub.f32 v5, v4;
	_ =	sdelay $0x1  }
0xa8: {  	v61 =	vsub.f32 v6, v7;
	v2 =	vmul.f32 v2, v2;
	v3 =	vmul.f32 v3, v3;
	_ =	sdelay $0x1  }
0xa9: {  	v2 =	vadd.f32 v3, v2;
	v3 =	vmul.f32 v61, v61;
	_ =	sdelay $0x1  }
0xaa: {  	v2 =	vadd.f32 v3, v2;
	_ =	sdelay $0x1  }
0xab: {  	v3 =	vshra.s32 v2, $0x1;
	v62 =	vmul.f32 $5.000000000e-01, v2  }
0xac: {  	v3 =	vsub.s32 $0x5F3759DF, v3  }
0xad: {  	v63 =	vmul.f32 v3, v62;
	_ =	sdelay $0x1  }
0xae: {  	v5 =	vmul.f32 v3, v63;
	_ =	sdelay $0x1  }
0xaf: {  	v5 =	vsub.f32 $1.500000000e+00, v5;
	_ =	sdelay $0x1  }
0xb0: {  	v3 =	vmul.f32 v3, v5;
	_ =	sdelay $0x1  }
0xb1: {  	v5 =	vmul.f32 v3, v62;
	_ =	sdelay $0x1  }
0xb2: {  	v5 =	vmul.f32 v5, v3;
	_ =	sdelay $0x1  }
0xb3: {  	v5 =	vsub.f32 $1.500000000e+00, v5;
	_ =	sdelay $0x1  }
0xb4: {  	v3 =	vmul.f32 v5, v3;
	_ =	sdelay $0x1  }
0xb5: {  	v4 =	vmul.f32 v3, v62;
	_ =	sdelay $0x1  }
0xb6: {  	v4 =	vmul.f32 v4, v3;
	_ =	sdelay $0x1  }
0xb7: {  	v4 =	vsub.f32 $1.500000000e+00, v4;
	_ =	sdelay $0x1  }
0xb8: {  	v3 =	vmul.f32 v4, v3;
	_ =	sdelay $0x1  }
0xb9: {  	v3 =	vmul.f32 v3, v2;
	_ =	sdelay $0x1  }
0xba: {  	v3 =	vmul.f32 $-1.000000000e+01, v3;
	_ =	sdelay $0x1  }
0xbb: {  	v3 =	vmul.f32 $1.442695020e+00, v3  }
0xbc: {  	vm15 =	vgt.f32 v2, $0.0e+00  }
0xbd: {  	v2 =	vnsel vm15, $0x80000000, v3  }
0xbe: {  	(erf) = vpow2.f32 v2;
	_ =	sdelay $0x8  }
0xbf: {  	v2 =	vpop (erf)  }
0xc0: {  	v2 =	vadd.f32 $1.000000050e-03, v2  }
0xc1: {  	s17 =	sadd.s32 $0x10, s17  }
0xc2: {  	[tilespmem:s17+$0x0] =	vst v2  }
0xc3: {  	_ =	swait.ge [sflag:s12], $0x600  }
0xc4: {  	[sflag:s12] =	ssyncset.done $0x0  }
0xc5: {  	[sflag:s12] =	ssyncadd.s32 $0xFFFFFA00  }
0xc6: {  	_ =	swait.ge [sflag:s12], $0x1200  }
0xc7: {  	[sflag:s12] =	ssyncset.done $0x0  }
0xc8: {  	s17 =	simm.s32 $0x0;
	[sflag:s12] =	ssyncadd.s32 $0xFFFFEE00  }
.LBB2_4:
0xc9: {  	v2 =	vor.u32 s17, v0  }
0xca: {  	v4 =	vmul.u32 $0x9, v2;
	_ =	sdelay $0x2  }
0xcb: {  	v3 =	vadd.s32 $0x1, v4  }
0xcc: {  	v5 =	vadd.s32 $0x2, v4;
	_ =	sdelay $0x1  }
0xcd: {  	v7 =	vadd.s32 $0x3, v4;
	v6 =	vld.idx.msk [tilespmem:v4+s11+$0x0], $0xffff;
	_ =	sdelay $0x1  }
0xce: {  	v8 =	vadd.s32 $0x4, v4;
	v3 =	vld.idx.msk [tilespmem:v3+s11+$0x0], $0xffff  }
0xcf: {  	v5 =	vld.idx.msk [tilespmem:v5+s11+$0x0], $0xffff  }
0xd0: {  	v30 =	vadd.s32 $0x5, v4  }
0xd1: {  	v10 =	vadd.s32 $0x6, v4;
	v29 =	vld.idx.msk [tilespmem:v7+s11+$0x0], $0xffff;
	v9 =	vmul.u32 $0x15, v6  }
0xd2: {  	v11 =	vadd.s32 $0x7, v4  }
0xd3: {  	v8 =	vld.idx.msk [tilespmem:v8+s11+$0x0], $0xffff;
	v3 =	vadd.s32 v3, v9  }
0xd4: {  	v5 =	vadd.s32 v9, v5  }
0xd5: {  	v12 =	vadd.s32 $0x8, v4;
	v7 =	vld.idx.msk [tilespmem:v30+s11+$0x0], $0xffff  }
0xd6: {  	v10 =	vld.idx.msk [tilespmem:v10+s11+$0x0], $0xffff;
	v6 =	vadd.s32 v9, v29  }
0xd7: {  	v11 =	vld.idx.msk [tilespmem:v11+s11+$0x0], $0xffff  }
0xd8: {  	v8 =	vadd.s32 v9, v8;
	v3 =	vld.idx.msk [tilespmem:v3+s13+$0x0], $0xffff  }
0xd9: {  	v4 =	vld.idx.msk [tilespmem:v5+s13+$0x0], $0xffff  }
0xda: {  	v12 =	vld.idx.msk [tilespmem:v12+s11+$0x0], $0xffff;
	v31 =	vadd.s32 v9, v7  }
0xdb: {  	v5 =	vld.idx.msk [tilespmem:v6+s13+$0x0], $0xffff  }
0xdc: {  	v10 =	vadd.s32 v9, v10  }
0xdd: {  	v7 =	vld.idx.msk [tilespmem:v8+s13+$0x0], $0xffff  }
0xde: {  	v11 =	vadd.s32 v9, v11;
	v32 =	vadd.f32 v4, v3  }
0xdf: {  	v6 =	vld.idx.msk [tilespmem:v31+s13+$0x0], $0xffff  }
0xe0: {  	v12 =	vadd.s32 v9, v12;
	v33 =	vadd.f32 v5, v32  }
0xe1: {  	v8 =	vld.idx.msk [tilespmem:v10+s13+$0x0], $0xffff  }
0xe2: {  	v34 =	vadd.f32 v7, v33  }
0xe3: {  	v9 =	vld.idx.msk [tilespmem:v11+s13+$0x0], $0xffff  }
0xe4: {  	v10 =	vadd.f32 v6, v34  }
0xe5: {  	v11 =	vld.idx.msk [tilespmem:v12+s13+$0x0], $0xffff  }
0xe6: {  	v10 =	vadd.f32 v8, v10;
	_ =	sdelay $0x1  }
0xe7: {  	v10 =	vadd.f32 v9, v10;
	_ =	sdelay $0x1  }
0xe8: {  	v13 =	vadd.f32 v11, v10;
	_ =	sdelay $0x1  }
0xe9: {  	(erf) = vrcp.f32 v13;
	v10 =	vsub.f32 v13, v3;
	_ =	sdelay $0x1  }
0xea: {  	(erf) = vrcp.f32 v10;
	_ =	sdelay $0x4  }
0xeb: {  	v35 =	vsub.f32 v13, v4;
	_ =	sdelay $0x1  }
0xec: {  	v12 =	vpop (erf);
	(erf) = vrcp.f32 v35  }
0xed: {  	v10 =	vmul.u32 $0x38, v2;
	v14 =	vmul.f32 v12, v3  }
0xee: {  	v15 =	vpop (erf)  }
0xef: {  	v36 =	vor.u32 $0x1, v10;
	v14 =	vmul.f32 v15, v14  }
0xf0: {  	v16 =	vor.u32 $0x2, v10  }
0xf1: {  	v19 =	vsub.f32 v13, v5;
	v18 =	vor.u32 $0x3, v10;
	v17 =	vmul.f32 v14, v4  }
0xf2: {  	v21 =	vor.u32 $0x4, v10;
	v20 =	vmul.f32 v14, v5  }
0xf3: {  	v22 =	vor.u32 $0x5, v10;
	(erf) = vrcp.f32 v19;
	v37 =	vmul.f32 v14, v7;
	[tilespmem:v10+s14+$0x0] =	vst.idx.msk $0xffff, v17  }
0xf4: {  	v39 =	vor.u32 $0x6, v10;
	v40 =	vmul.f32 v12, v4;
	v38 =	vmul.f32 v14, v6;
	[tilespmem:v36+s14+$0x0] =	vst.idx.msk $0xffff, v20  }
0xf5: {  	v23 =	vor.u32 $0x7, v10;
	v41 =	vmul.f32 v14, v8;
	[tilespmem:v16+s14+$0x0] =	vst.idx.msk $0xffff, v37;
	v42 =	vpop (erf)  }
0xf6: {  	v44 =	vadd.s32 $0x8, v10;
	v43 =	vmul.f32 v14, v9;
	[tilespmem:v18+s14+$0x0] =	vst.idx.msk $0xffff, v38;
	v17 =	vmul.f32 v42, v40  }
0xf7: {  	v45 =	vadd.s32 $0x9, v10;
	v14 =	vmul.f32 v14, v11;
	[tilespmem:v21+s14+$0x0] =	vst.idx.msk $0xffff, v41  }
0xf8: {  	v48 =	vsub.f32 v13, v7;
	v47 =	vadd.s32 $0xA, v10;
	[tilespmem:v22+s14+$0x0] =	vst.idx.msk $0xffff, v43;
	v46 =	vmul.f32 v17, v3  }
0xf9: {  	v50 =	vadd.s32 $0xB, v10;
	v49 =	vmul.f32 v17, v5;
	[tilespmem:v39+s14+$0x0] =	vst.idx.msk $0xffff, v14  }
0xfa: {  	v52 =	vadd.s32 $0xC, v10;
	(erf) = vrcp.f32 v48;
	v51 =	vmul.f32 v17, v7;
	[tilespmem:v23+s14+$0x0] =	vst.idx.msk $0xffff, v46  }
0xfb: {  	v54 =	vadd.s32 $0xD, v10;
	v55 =	vmul.f32 v12, v5;
	v53 =	vmul.f32 v17, v6;
	[tilespmem:v44+s14+$0x0] =	vst.idx.msk $0xffff, v49  }
0xfc: {  	v58 =	vadd.s32 $0xE, v10;
	v57 =	vpop (erf);
	v56 =	vmul.f32 v17, v8;
	[tilespmem:v45+s14+$0x0] =	vst.idx.msk $0xffff, v51  }
0xfd: {  	v60 =	vadd.s32 $0xF, v10;
	v59 =	vmul.f32 v17, v9;
	v16 =	vmul.f32 v57, v55;
	[tilespmem:v47+s14+$0x0] =	vst.idx.msk $0xffff, v53  }
0xfe: {  	v62 =	vadd.s32 $0x10, v10;
	v61 =	vmul.f32 v17, v11;
	[tilespmem:v50+s14+$0x0] =	vst.idx.msk $0xffff, v56  }
0xff: {  	v25 =	vsub.f32 v13, v6;
	v24 =	vadd.s32 $0x11, v10;
	v63 =	vmul.f32 v16, v3;
	[tilespmem:v52+s14+$0x0] =	vst.idx.msk $0xffff, v59  }
0x100: {  	v27 =	vadd.s32 $0x12, v10;
	v26 =	vmul.f32 v16, v4;
	[tilespmem:v54+s14+$0x0] =	vst.idx.msk $0xffff, v61  }
0x101: {  	v29 =	vadd.s32 $0x13, v10;
	(erf) = vrcp.f32 v25;
	v28 =	vmul.f32 v16, v7;
	[tilespmem:v58+s14+$0x0] =	vst.idx.msk $0xffff, v63  }
0x102: {  	v31 =	vadd.s32 $0x14, v10;
	v32 =	vmul.f32 v12, v7;
	v30 =	vmul.f32 v16, v6;
	[tilespmem:v60+s14+$0x0] =	vst.idx.msk $0xffff, v26  }
0x103: {  	v35 =	vadd.s32 $0x15, v10;
	v33 =	vmul.f32 v16, v8;
	v34 =	vpop (erf);
	[tilespmem:v62+s14+$0x0] =	vst.idx.msk $0xffff, v28  }
0x104: {  	v37 =	vadd.s32 $0x16, v10;
	v36 =	vmul.f32 v16, v9;
	v17 =	vmul.f32 v34, v32;
	[tilespmem:v24+s14+$0x0] =	vst.idx.msk $0xffff, v30  }
0x105: {  	v39 =	vadd.s32 $0x17, v10;
	v38 =	vmul.f32 v16, v11;
	[tilespmem:v27+s14+$0x0] =	vst.idx.msk $0xffff, v33  }
0x106: {  	v42 =	vsub.f32 v13, v8;
	v41 =	vadd.s32 $0x18, v10;
	v40 =	vmul.f32 v17, v3;
	[tilespmem:v29+s14+$0x0] =	vst.idx.msk $0xffff, v36  }
0x107: {  	v44 =	vadd.s32 $0x19, v10;
	v43 =	vmul.f32 v17, v4;
	[tilespmem:v31+s14+$0x0] =	vst.idx.msk $0xffff, v38  }
0x108: {  	v46 =	vadd.s32 $0x1A, v10;
	(erf) = vrcp.f32 v42;
	v45 =	vmul.f32 v17, v5;
	[tilespmem:v35+s14+$0x0] =	vst.idx.msk $0xffff, v40  }
0x109: {  	v48 =	vadd.s32 $0x1B, v10;
	v49 =	vmul.f32 v12, v6;
	v47 =	vmul.f32 v17, v6;
	[tilespmem:v37+s14+$0x0] =	vst.idx.msk $0xffff, v43  }
0x10a: {  	v52 =	vadd.s32 $0x1C, v10;
	v51 =	vpop (erf);
	v50 =	vmul.f32 v17, v8;
	[tilespmem:v39+s14+$0x0] =	vst.idx.msk $0xffff, v45  }
0x10b: {  	v54 =	vadd.s32 $0x1D, v10;
	v53 =	vmul.f32 v17, v9;
	v16 =	vmul.f32 v51, v49;
	[tilespmem:v41+s14+$0x0] =	vst.idx.msk $0xffff, v47  }
0x10c: {  	v56 =	vadd.s32 $0x1E, v10;
	v55 =	vmul.f32 v17, v11;
	[tilespmem:v44+s14+$0x0] =	vst.idx.msk $0xffff, v50  }
0x10d: {  	v59 =	vsub.f32 v13, v9;
	v58 =	vadd.s32 $0x1F, v10;
	v57 =	vmul.f32 v16, v3;
	[tilespmem:v46+s14+$0x0] =	vst.idx.msk $0xffff, v53  }
0x10e: {  	v61 =	vadd.s32 $0x20, v10;
	v60 =	vmul.f32 v16, v4;
	[tilespmem:v48+s14+$0x0] =	vst.idx.msk $0xffff, v55  }
0x10f: {  	v63 =	vadd.s32 $0x21, v10;
	(erf) = vrcp.f32 v59;
	v62 =	vmul.f32 v16, v5;
	[tilespmem:v52+s14+$0x0] =	vst.idx.msk $0xffff, v57  }
0x110: {  	v25 =	vadd.s32 $0x22, v10;
	v26 =	vmul.f32 v12, v8;
	v24 =	vmul.f32 v16, v7;
	[tilespmem:v54+s14+$0x0] =	vst.idx.msk $0xffff, v60  }
0x111: {  	v27 =	vmul.f32 v16, v8;
	v29 =	vadd.s32 $0x23, v10;
	v28 =	vpop (erf);
	[tilespmem:v56+s14+$0x0] =	vst.idx.msk $0xffff, v62  }
0x112: {  	v30 =	vmul.f32 v16, v9;
	v31 =	vadd.s32 $0x24, v10;
	v17 =	vmul.f32 v28, v26;
	[tilespmem:v58+s14+$0x0] =	vst.idx.msk $0xffff, v24  }
0x113: {  	v32 =	vmul.f32 v16, v11;
	v33 =	vadd.s32 $0x25, v10;
	[tilespmem:v61+s14+$0x0] =	vst.idx.msk $0xffff, v27  }
0x114: {  	v13 =	vsub.f32 v13, v11;
	v35 =	vadd.s32 $0x26, v10;
	v34 =	vmul.f32 v17, v3;
	[tilespmem:v63+s14+$0x0] =	vst.idx.msk $0xffff, v30  }
0x115: {  	v37 =	vadd.s32 $0x27, v10;
	v36 =	vmul.f32 v17, v4;
	[tilespmem:v25+s14+$0x0] =	vst.idx.msk $0xffff, v32  }
0x116: {  	(erf) = vrcp.f32 v13;
	v38 =	vmul.f32 v17, v5;
	v39 =	vadd.s32 $0x28, v10;
	[tilespmem:v29+s14+$0x0] =	vst.idx.msk $0xffff, v34  }
0x117: {  	v42 =	vmul.f32 v12, v9;
	v40 =	vmul.f32 v17, v7;
	v41 =	vadd.s32 $0x29, v10;
	[tilespmem:v31+s14+$0x0] =	vst.idx.msk $0xffff, v36  }
0x118: {  	v43 =	vmul.f32 v17, v6;
	v45 =	vadd.s32 $0x2A, v10;
	v44 =	vpop (erf);
	[tilespmem:v33+s14+$0x0] =	vst.idx.msk $0xffff, v38  }
0x119: {  	v47 =	vadd.s32 $0x2B, v10;
	v46 =	vmul.f32 v17, v9;
	v16 =	vmul.f32 v44, v42;
	[tilespmem:v35+s14+$0x0] =	vst.idx.msk $0xffff, v40  }
0x11a: {  	v49 =	vadd.s32 $0x2C, v10;
	v48 =	vmul.f32 v17, v11;
	[tilespmem:v37+s14+$0x0] =	vst.idx.msk $0xffff, v43  }
0x11b: {  	v51 =	vadd.s32 $0x2D, v10;
	v50 =	vmul.f32 v16, v3;
	[tilespmem:v39+s14+$0x0] =	vst.idx.msk $0xffff, v46  }
0x11c: {  	v53 =	vadd.s32 $0x2E, v10;
	v52 =	vmul.f32 v16, v4;
	[tilespmem:v41+s14+$0x0] =	vst.idx.msk $0xffff, v48  }
0x11d: {  	v55 =	vadd.s32 $0x2F, v10;
	v54 =	vmul.f32 v16, v5;
	[tilespmem:v45+s14+$0x0] =	vst.idx.msk $0xffff, v50  }
0x11e: {  	v12 =	vmul.f32 v12, v11;
	v57 =	vadd.s32 $0x30, v10;
	v56 =	vmul.f32 v16, v7;
	[tilespmem:v47+s14+$0x0] =	vst.idx.msk $0xffff, v52  }
0x11f: {  	v59 =	vpop (erf);
	v60 =	vadd.s32 $0x31, v10;
	v58 =	vmul.f32 v16, v6;
	[tilespmem:v49+s14+$0x0] =	vst.idx.msk $0xffff, v54  }
0x120: {  	v12 =	vmul.f32 v59, v12;
	v62 =	vadd.s32 $0x32, v10;
	v61 =	vmul.f32 v16, v8;
	[tilespmem:v51+s14+$0x0] =	vst.idx.msk $0xffff, v56  }
0x121: {  	v11 =	vmul.f32 v16, v11;
	v63 =	vadd.s32 $0x33, v10;
	[tilespmem:v53+s14+$0x0] =	vst.idx.msk $0xffff, v58  }
0x122: {  	v3 =	vmul.f32 v12, v3;
	v16 =	vadd.s32 $0x34, v10;
	[tilespmem:v55+s14+$0x0] =	vst.idx.msk $0xffff, v61  }
0x123: {  	v18 =	vadd.s32 $0x35, v10;
	v4 =	vmul.f32 v12, v4;
	[tilespmem:v57+s14+$0x0] =	vst.idx.msk $0xffff, v11  }
0x124: {  	v19 =	vadd.s32 $0x36, v10;
	[tilespmem:v60+s14+$0x0] =	vst.idx.msk $0xffff, v3;
	v3 =	vmul.f32 v12, v5  }
0x125: {  	v21 =	vadd.s32 $0x37, v10;
	v22 =	vmul.u32 $0x3, v2;
	v20 =	vmul.f32 v12, v7;
	[tilespmem:v62+s14+$0x0] =	vst.idx.msk $0xffff, v4  }
0x126: {  	[tilespmem:v63+s14+$0x0] =	vst.idx.msk $0xffff, v3;
	v3 =	vmul.f32 v12, v6  }
0x127: {  	v23 =	vmul.f32 v12, v8;
	[tilespmem:v16+s14+$0x0] =	vst.idx.msk $0xffff, v20  }
0x128: {  	v24 =	vadd.s32 $0x1, v22;
	[tilespmem:v18+s14+$0x0] =	vst.idx.msk $0xffff, v3;
	v3 =	vmul.f32 v12, v9  }
0x129: {  	v25 =	vadd.s32 $0x2, v22;
	[tilespmem:v19+s14+$0x0] =	vst.idx.msk $0xffff, v23  }
0x12a: {  	[tilespmem:v21+s14+$0x0] =	vst.idx.msk $0xffff, v3  }
0x12b: {  	v3 =	vld.idx.msk [tilespmem:v22+s10+$0x0], $0xffff;
	_ =	sdelay $0x1  }
0x12c: {  	v5 =	vld.idx.msk [tilespmem:v24+s10+$0x0], $0xffff  }
0x12d: {  	v4 =	vld.idx.msk [tilespmem:v25+s10+$0x0], $0xffff;
	_ =	sdelay $0x1  }
0x12e: {  	v3 =	vmul.u32 $0x15, v3;
	_ =	sdelay $0x1  }
0x12f: {  	v5 =	vadd.s32 v5, v3  }
0x130: {  	v3 =	vadd.s32 v3, v4;
	_ =	sdelay $0x3  }
0x131: {  	v26 =	vld.idx.msk [tilespmem:v5+s13+$0x0], $0xffff  }
0x132: {  	v3 =	vld.idx.msk [tilespmem:v3+s13+$0x0], $0xffff;
	_ =	sdelay $0x4  }
0x133: {  	v5 =	vadd.f32 v3, v26;
	_ =	sdelay $0x1  }
0x134: {  	(erf) = vrcp.f32 v5;
	_ =	sdelay $0x6  }
0x135: {  	s18 =	sadd.s32 $0x10, s17;
	v27 =	vshll.u32 v2, $0x1  }
0x136: {  	v2 =	vor.u32 s18, v0;
	v28 =	vor.u32 $0x1, v27  }
0x137: {  	v29 =	vmul.u32 $0x9, v2;
	v30 =	vpop (erf)  }
0x138: {  	v4 =	vmul.f32 v30, v26  }
0x139: {  	v3 =	vmul.f32 v30, v3  }
0x13a: {  	v31 =	vadd.s32 $0x1, v29;
	[tilespmem:v27+s15+$0x0] =	vst.idx.msk $0xffff, v4  }
0x13b: {  	[tilespmem:v28+s15+$0x0] =	vst.idx.msk $0xffff, v3;
	v3 =	vadd.s32 $0x2, v29;
	_ =	sdelay $0x1  }
0x13c: {  	v32 =	vadd.s32 $0x3, v29;
	v4 =	vld.idx.msk [tilespmem:v29+s11+$0x0], $0xffff;
	_ =	sdelay $0x1  }
0x13d: {  	v33 =	vadd.s32 $0x4, v29;
	v6 =	vld.idx.msk [tilespmem:v31+s11+$0x0], $0xffff  }
0x13e: {  	v3 =	vld.idx.msk [tilespmem:v3+s11+$0x0], $0xffff  }
0x13f: {  	v36 =	vadd.s32 $0x5, v29  }
0x140: {  	v37 =	vadd.s32 $0x6, v29;
	v35 =	vld.idx.msk [tilespmem:v32+s11+$0x0], $0xffff;
	v34 =	vmul.u32 $0x15, v4  }
0x141: {  	v39 =	vadd.s32 $0x7, v29  }
0x142: {  	v8 =	vld.idx.msk [tilespmem:v33+s11+$0x0], $0xffff;
	v6 =	vadd.s32 v6, v34  }
0x143: {  	v38 =	vadd.s32 v34, v3  }
0x144: {  	v41 =	vadd.s32 $0x8, v29;
	v14 =	vld.idx.msk [tilespmem:v36+s11+$0x0], $0xffff  }
0x145: {  	v42 =	vld.idx.msk [tilespmem:v37+s11+$0x0], $0xffff;
	v40 =	vadd.s32 v34, v35  }
0x146: {  	v43 =	vld.idx.msk [tilespmem:v39+s11+$0x0], $0xffff  }
0x147: {  	v8 =	vadd.s32 v34, v8;
	v3 =	vld.idx.msk [tilespmem:v6+s13+$0x0], $0xffff  }
0x148: {  	v4 =	vld.idx.msk [tilespmem:v38+s13+$0x0], $0xffff  }
0x149: {  	v45 =	vld.idx.msk [tilespmem:v41+s11+$0x0], $0xffff;
	v44 =	vadd.s32 v34, v14  }
0x14a: {  	v5 =	vld.idx.msk [tilespmem:v40+s13+$0x0], $0xffff  }
0x14b: {  	v46 =	vadd.s32 v34, v42  }
0x14c: {  	v7 =	vld.idx.msk [tilespmem:v8+s13+$0x0], $0xffff  }
0x14d: {  	v10 =	vadd.s32 v34, v43;
	v47 =	vadd.f32 v4, v3  }
0x14e: {  	v6 =	vld.idx.msk [tilespmem:v44+s13+$0x0], $0xffff  }
0x14f: {  	v48 =	vadd.s32 v34, v45;
	v49 =	vadd.f32 v5, v47  }
0x150: {  	v8 =	vld.idx.msk [tilespmem:v46+s13+$0x0], $0xffff  }
0x151: {  	v50 =	vadd.f32 v7, v49  }
0x152: {  	v9 =	vld.idx.msk [tilespmem:v10+s13+$0x0], $0xffff  }
0x153: {  	v51 =	vadd.f32 v6, v50  }
0x154: {  	v11 =	vld.idx.msk [tilespmem:v48+s13+$0x0], $0xffff  }
0x155: {  	v10 =	vadd.f32 v8, v51;
	_ =	sdelay $0x1  }
0x156: {  	v10 =	vadd.f32 v9, v10;
	_ =	sdelay $0x1  }
0x157: {  	v13 =	vadd.f32 v11, v10;
	_ =	sdelay $0x1  }
0x158: {  	(erf) = vrcp.f32 v13;
	v10 =	vsub.f32 v13, v3;
	_ =	sdelay $0x1  }
0x159: {  	(erf) = vrcp.f32 v10;
	_ =	sdelay $0x4  }
0x15a: {  	v52 =	vsub.f32 v13, v4;
	_ =	sdelay $0x1  }
0x15b: {  	v12 =	vpop (erf);
	(erf) = vrcp.f32 v52  }
0x15c: {  	v10 =	vmul.u32 $0x38, v2;
	v53 =	vmul.f32 v12, v3  }
0x15d: {  	v54 =	vpop (erf)  }
0x15e: {  	v55 =	vor.u32 $0x1, v10;
	v14 =	vmul.f32 v54, v53  }
0x15f: {  	v56 =	vor.u32 $0x2, v10  }
0x160: {  	v59 =	vsub.f32 v13, v5;
	v58 =	vor.u32 $0x3, v10;
	v57 =	vmul.f32 v14, v4  }
0x161: {  	v61 =	vor.u32 $0x4, v10;
	v60 =	vmul.f32 v14, v5  }
0x162: {  	v63 =	vor.u32 $0x5, v10;
	(erf) = vrcp.f32 v59;
	v62 =	vmul.f32 v14, v7;
	[tilespmem:v10+s14+$0x0] =	vst.idx.msk $0xffff, v57  }
0x163: {  	v25 =	vor.u32 $0x6, v10;
	v26 =	vmul.f32 v12, v4;
	v24 =	vmul.f32 v14, v6;
	[tilespmem:v55+s14+$0x0] =	vst.idx.msk $0xffff, v60  }
0x164: {  	v29 =	vor.u32 $0x7, v10;
	v27 =	vmul.f32 v14, v8;
	[tilespmem:v56+s14+$0x0] =	vst.idx.msk $0xffff, v62;
	v28 =	vpop (erf)  }
0x165: {  	v31 =	vadd.s32 $0x8, v10;
	v30 =	vmul.f32 v14, v9;
	[tilespmem:v58+s14+$0x0] =	vst.idx.msk $0xffff, v24;
	v17 =	vmul.f32 v28, v26  }
0x166: {  	v32 =	vadd.s32 $0x9, v10;
	v14 =	vmul.f32 v14, v11;
	[tilespmem:v61+s14+$0x0] =	vst.idx.msk $0xffff, v27  }
0x167: {  	v35 =	vsub.f32 v13, v7;
	v34 =	vadd.s32 $0xA, v10;
	[tilespmem:v63+s14+$0x0] =	vst.idx.msk $0xffff, v30;
	v33 =	vmul.f32 v17, v3  }
0x168: {  	v37 =	vadd.s32 $0xB, v10;
	v36 =	vmul.f32 v17, v5;
	[tilespmem:v25+s14+$0x0] =	vst.idx.msk $0xffff, v14  }
0x169: {  	v39 =	vadd.s32 $0xC, v10;
	(erf) = vrcp.f32 v35;
	v38 =	vmul.f32 v17, v7;
	[tilespmem:v29+s14+$0x0] =	vst.idx.msk $0xffff, v33  }
0x16a: {  	v41 =	vadd.s32 $0xD, v10;
	v42 =	vmul.f32 v12, v5;
	v40 =	vmul.f32 v17, v6;
	[tilespmem:v31+s14+$0x0] =	vst.idx.msk $0xffff, v36  }
0x16b: {  	v45 =	vadd.s32 $0xE, v10;
	v44 =	vpop (erf);
	v43 =	vmul.f32 v17, v8;
	[tilespmem:v32+s14+$0x0] =	vst.idx.msk $0xffff, v38  }
0x16c: {  	v47 =	vadd.s32 $0xF, v10;
	v46 =	vmul.f32 v17, v9;
	v16 =	vmul.f32 v44, v42;
	[tilespmem:v34+s14+$0x0] =	vst.idx.msk $0xffff, v40  }
0x16d: {  	v49 =	vadd.s32 $0x10, v10;
	v48 =	vmul.f32 v17, v11;
	[tilespmem:v37+s14+$0x0] =	vst.idx.msk $0xffff, v43  }
0x16e: {  	v51 =	vadd.s32 $0x11, v10;
	v52 =	vsub.f32 v13, v6;
	v50 =	vmul.f32 v16, v3;
	[tilespmem:v39+s14+$0x0] =	vst.idx.msk $0xffff, v46  }
0x16f: {  	v54 =	vadd.s32 $0x12, v10;
	v53 =	vmul.f32 v16, v4;
	[tilespmem:v41+s14+$0x0] =	vst.idx.msk $0xffff, v48  }
0x170: {  	v56 =	vadd.s32 $0x13, v10;
	(erf) = vrcp.f32 v52;
	v55 =	vmul.f32 v16, v7;
	[tilespmem:v45+s14+$0x0] =	vst.idx.msk $0xffff, v50  }
0x171: {  	v59 =	vmul.f32 v12, v7;
	v58 =	vadd.s32 $0x14, v10;
	v57 =	vmul.f32 v16, v6;
	[tilespmem:v47+s14+$0x0] =	vst.idx.msk $0xffff, v53  }
0x172: {  	v62 =	vadd.s32 $0x15, v10;
	v60 =	vmul.f32 v16, v8;
	v61 =	vpop (erf);
	[tilespmem:v49+s14+$0x0] =	vst.idx.msk $0xffff, v55  }
0x173: {  	v24 =	vadd.s32 $0x16, v10;
	v63 =	vmul.f32 v16, v9;
	v17 =	vmul.f32 v61, v59;
	[tilespmem:v51+s14+$0x0] =	vst.idx.msk $0xffff, v57  }
0x174: {  	v26 =	vadd.s32 $0x17, v10;
	v25 =	vmul.f32 v16, v11;
	[tilespmem:v54+s14+$0x0] =	vst.idx.msk $0xffff, v60  }
0x175: {  	v28 =	vadd.s32 $0x18, v10;
	v29 =	vsub.f32 v13, v8;
	v27 =	vmul.f32 v17, v3;
	[tilespmem:v56+s14+$0x0] =	vst.idx.msk $0xffff, v63  }
0x176: {  	v31 =	vadd.s32 $0x19, v10;
	v30 =	vmul.f32 v17, v4;
	[tilespmem:v58+s14+$0x0] =	vst.idx.msk $0xffff, v25  }
0x177: {  	v33 =	vadd.s32 $0x1A, v10;
	(erf) = vrcp.f32 v29;
	v32 =	vmul.f32 v17, v5;
	[tilespmem:v62+s14+$0x0] =	vst.idx.msk $0xffff, v27  }
0x178: {  	v35 =	vadd.s32 $0x1B, v10;
	v36 =	vmul.f32 v12, v6;
	v34 =	vmul.f32 v17, v6;
	[tilespmem:v24+s14+$0x0] =	vst.idx.msk $0xffff, v30  }
0x179: {  	v39 =	vadd.s32 $0x1C, v10;
	v38 =	vpop (erf);
	v37 =	vmul.f32 v17, v8;
	[tilespmem:v26+s14+$0x0] =	vst.idx.msk $0xffff, v32  }
0x17a: {  	v41 =	vadd.s32 $0x1D, v10;
	v40 =	vmul.f32 v17, v9;
	v16 =	vmul.f32 v38, v36;
	[tilespmem:v28+s14+$0x0] =	vst.idx.msk $0xffff, v34  }
0x17b: {  	v43 =	vadd.s32 $0x1E, v10;
	v42 =	vmul.f32 v17, v11;
	[tilespmem:v31+s14+$0x0] =	vst.idx.msk $0xffff, v37  }
0x17c: {  	v46 =	vsub.f32 v13, v9;
	v45 =	vadd.s32 $0x1F, v10;
	v44 =	vmul.f32 v16, v3;
	[tilespmem:v33+s14+$0x0] =	vst.idx.msk $0xffff, v40  }
0x17d: {  	v48 =	vadd.s32 $0x20, v10;
	v47 =	vmul.f32 v16, v4;
	[tilespmem:v35+s14+$0x0] =	vst.idx.msk $0xffff, v42  }
0x17e: {  	v50 =	vadd.s32 $0x21, v10;
	(erf) = vrcp.f32 v46;
	v49 =	vmul.f32 v16, v5;
	[tilespmem:v39+s14+$0x0] =	vst.idx.msk $0xffff, v44  }
0x17f: {  	v52 =	vadd.s32 $0x22, v10;
	v53 =	vmul.f32 v12, v8;
	v51 =	vmul.f32 v16, v7;
	[tilespmem:v41+s14+$0x0] =	vst.idx.msk $0xffff, v47  }
0x180: {  	v54 =	vmul.f32 v16, v8;
	v56 =	vadd.s32 $0x23, v10;
	v55 =	vpop (erf);
	[tilespmem:v43+s14+$0x0] =	vst.idx.msk $0xffff, v49  }
0x181: {  	v57 =	vmul.f32 v16, v9;
	v58 =	vadd.s32 $0x24, v10;
	v17 =	vmul.f32 v55, v53;
	[tilespmem:v45+s14+$0x0] =	vst.idx.msk $0xffff, v51  }
0x182: {  	v59 =	vmul.f32 v16, v11;
	v60 =	vadd.s32 $0x25, v10;
	[tilespmem:v48+s14+$0x0] =	vst.idx.msk $0xffff, v54  }
0x183: {  	v13 =	vsub.f32 v13, v11;
	v62 =	vadd.s32 $0x26, v10;
	v61 =	vmul.f32 v17, v3;
	[tilespmem:v50+s14+$0x0] =	vst.idx.msk $0xffff, v57  }
0x184: {  	v24 =	vadd.s32 $0x27, v10;
	v63 =	vmul.f32 v17, v4;
	[tilespmem:v52+s14+$0x0] =	vst.idx.msk $0xffff, v59  }
0x185: {  	(erf) = vrcp.f32 v13;
	v25 =	vmul.f32 v17, v5;
	v26 =	vadd.s32 $0x28, v10;
	[tilespmem:v56+s14+$0x0] =	vst.idx.msk $0xffff, v61  }
0x186: {  	v29 =	vmul.f32 v12, v9;
	v27 =	vmul.f32 v17, v7;
	v28 =	vadd.s32 $0x29, v10;
	[tilespmem:v58+s14+$0x0] =	vst.idx.msk $0xffff, v63  }
0x187: {  	v30 =	vpop (erf);
	v32 =	vadd.s32 $0x2A, v10;
	v31 =	vmul.f32 v17, v6;
	[tilespmem:v60+s14+$0x0] =	vst.idx.msk $0xffff, v25  }
0x188: {  	v34 =	vmul.f32 v30, v29;
	v33 =	vmul.f32 v17, v9;
	v35 =	vadd.s32 $0x2B, v10;
	[tilespmem:v62+s14+$0x0] =	vst.idx.msk $0xffff, v27  }
0x189: {  	v36 =	vmul.f32 v17, v11;
	v37 =	vadd.s32 $0x2C, v10;
	[tilespmem:v24+s14+$0x0] =	vst.idx.msk $0xffff, v31  }
0x18a: {  	v38 =	vmul.f32 v34, v3;
	v39 =	vadd.s32 $0x2D, v10;
	[tilespmem:v26+s14+$0x0] =	vst.idx.msk $0xffff, v33  }
0x18b: {  	v40 =	vmul.f32 v34, v4;
	v41 =	vadd.s32 $0x2E, v10;
	[tilespmem:v28+s14+$0x0] =	vst.idx.msk $0xffff, v36  }
0x18c: {  	v42 =	vmul.f32 v34, v5;
	v43 =	vadd.s32 $0x2F, v10;
	[tilespmem:v32+s14+$0x0] =	vst.idx.msk $0xffff, v38  }
0x18d: {  	v12 =	vmul.f32 v12, v11;
	v44 =	vmul.f32 v34, v7;
	v45 =	vadd.s32 $0x30, v10;
	[tilespmem:v35+s14+$0x0] =	vst.idx.msk $0xffff, v40  }
0x18e: {  	v46 =	vmul.f32 v34, v6;
	v47 =	vpop (erf);
	v48 =	vadd.s32 $0x31, v10;
	[tilespmem:v37+s14+$0x0] =	vst.idx.msk $0xffff, v42  }
0x18f: {  	v49 =	vmul.f32 v34, v8;
	v12 =	vmul.f32 v47, v12;
	v50 =	vadd.s32 $0x32, v10;
	[tilespmem:v39+s14+$0x0] =	vst.idx.msk $0xffff, v44  }
0x190: {  	v11 =	vmul.f32 v34, v11;
	v51 =	vadd.s32 $0x33, v10;
	[tilespmem:v41+s14+$0x0] =	vst.idx.msk $0xffff, v46  }
0x191: {  	v3 =	vmul.f32 v12, v3;
	v52 =	vadd.s32 $0x34, v10;
	[tilespmem:v43+s14+$0x0] =	vst.idx.msk $0xffff, v49  }
0x192: {  	v53 =	vadd.s32 $0x35, v10;
	v4 =	vmul.f32 v12, v4;
	[tilespmem:v45+s14+$0x0] =	vst.idx.msk $0xffff, v11  }
0x193: {  	v54 =	vadd.s32 $0x36, v10;
	[tilespmem:v48+s14+$0x0] =	vst.idx.msk $0xffff, v3;
	v3 =	vmul.f32 v12, v5  }
0x194: {  	v55 =	vmul.f32 v12, v7;
	v57 =	vmul.u32 $0x3, v2;
	v56 =	vadd.s32 $0x37, v10;
	[tilespmem:v50+s14+$0x0] =	vst.idx.msk $0xffff, v4  }
0x195: {  	[tilespmem:v51+s14+$0x0] =	vst.idx.msk $0xffff, v3;
	v3 =	vmul.f32 v12, v6  }
0x196: {  	v58 =	vmul.f32 v12, v8;
	[tilespmem:v52+s14+$0x0] =	vst.idx.msk $0xffff, v55  }
0x197: {  	v59 =	vadd.s32 $0x1, v57;
	[tilespmem:v53+s14+$0x0] =	vst.idx.msk $0xffff, v3;
	v3 =	vmul.f32 v12, v9  }
0x198: {  	v60 =	vadd.s32 $0x2, v57;
	[tilespmem:v54+s14+$0x0] =	vst.idx.msk $0xffff, v58  }
0x199: {  	[tilespmem:v56+s14+$0x0] =	vst.idx.msk $0xffff, v3  }
0x19a: {  	v3 =	vld.idx.msk [tilespmem:v57+s10+$0x0], $0xffff;
	_ =	sdelay $0x1  }
0x19b: {  	v5 =	vld.idx.msk [tilespmem:v59+s10+$0x0], $0xffff  }
0x19c: {  	v4 =	vld.idx.msk [tilespmem:v60+s10+$0x0], $0xffff;
	_ =	sdelay $0x1  }
0x19d: {  	v3 =	vmul.u32 $0x15, v3;
	_ =	sdelay $0x1  }
0x19e: {  	v5 =	vadd.s32 v5, v3  }
0x19f: {  	v3 =	vadd.s32 v3, v4;
	_ =	sdelay $0x3  }
0x1a0: {  	v61 =	vld.idx.msk [tilespmem:v5+s13+$0x0], $0xffff  }
0x1a1: {  	v3 =	vld.idx.msk [tilespmem:v3+s13+$0x0], $0xffff;
	_ =	sdelay $0x4  }
0x1a2: {  	v5 =	vadd.f32 v3, v61;
	_ =	sdelay $0x1  }
0x1a3: {  	(erf) = vrcp.f32 v5;
	_ =	sdelay $0x6  }
0x1a4: {  	v2 =	vshll.u32 v2, $0x1  }
0x1a5: {  	p0 =	sne.s32 s17, $0x1E0;
	v62 =	vor.u32 $0x1, v2  }
.Ltmp1:
0x1a6: {  	v63 =	vpop (erf);
	(pc) =	sbr.rel @p0 .LBB2_4-.Ltmp1, $4  }
0x1a7: {  	v4 =	vmul.f32 v63, v61  }
0x1a8: {  	v3 =	vmul.f32 v63, v3  }
0x1a9: {  	[tilespmem:v2+s15+$0x0] =	vst.idx.msk $0xffff, v4  }
0x1aa: {  	s17 =	sadd.s32 $0x20, s17;
	[tilespmem:v62+s15+$0x0] =	vst.idx.msk $0xffff, v3  }
0x1ab: {  	[hbm4b:s6+s2] =	stream.linear.scatter [tilespmem:s15], [sflag:$0x2], $0x400, $0x38;
	[tilespmem:$0x8E80] =	vst v63  }
0x1ac: {  	s16 =	sadd.s32 $0x1, s16;
	_ =	swait.ge [sflag:s9], $0x400  }
0x1ad: {  	p0 =	sne.s32 s16, s8;
	[sflag:s9] =	ssyncset.done $0x0  }
.Ltmp2:
0x1ae: {  	[sflag:s9] =	ssyncadd.s32 $0xFFFFFC00;
	(pc) =	sbr.rel @p0 .LBB2_1-.Ltmp2, $4  }
0x1af: {  	[hbm4b:s7+s2] =	stream.linear.scatter [tilespmem:s14], [sflag:$0x2], $0x7000, $0x38;
	[tilespmem:$0x8E80] =	vst v63  }
0x1b0: {  	_ =	swait.ge [sflag:s9], $0x7000  }
0x1b1: {  	[sflag:s9] =	ssyncset.done $0x0  }
0x1b2: {  	[sflag:s9] =	ssyncadd.s32 $0xFFFF9000  }
0x1b3: {  	_ =	sfence.sel $0x180000  }
0x1b4: {  	[bflag:$0x0] =	sbarrier.arrive $0xFFFF  }
0x1b5: {  	p0 =	sne.s32 s0, $0x0;
	_ =	strace $0x90000047  }
0x1b6: {  	s0 =	sadd.s32 @!p0 $0x100000, s1;
	[bflag:$0x2] =	sbarrier.arrive $0xFFFF  }
0x1b7: {  	[sflag:s0] =	ssyncadd.tile.s32 @!p0 $0x1;
	_ =	shalt  }
.Lfunc_end2:
_tile_overlayer_lowered:
.L_overlay_start_2:
0x1b8: {  	(tag) =	ssettag $0x2  }
0x1b9: {  	s0 =	rddreg [dreg:$0x0];
	s2 =	stileid.u32  }
0x1ba: {  	s1 =	rddreg [dreg:$0x1];
	p0 =	sne.s32 s2, $0x0  }
0x1bb: {  	s3 =	rddreg [dreg:$0x2];
	[bflag:$0x3] =	sbarrier.arrive $0xFFFF;
	s2 =	simm.s32 @!p0 $0x1C02  }
0x1bc: {  	[timem:s3], [sflag:s2] =	dma.local @!p0 [hbm:s0], s1  }
0x1bd: {  	s0 =	simm.s32 @!p0 $0x2  }
0x1be: {  	_ =	swait.ge @!p0 [sflag:s0], s1  }
0x1bf: {  	s1 =	ssub.s32 @!p0 $0x0, s1;
	[sflag:s0] =	ssyncset.done @!p0 $0x0  }
0x1c0: {  	[sflag:s0] =	ssyncadd.s32 @!p0 s1  }
0x1c1: {  	[bflag:$0x3] =	sbarrier.arrive $0xFFFF  }
0x1c2: {  	_ =	shalt  }

</sc_bundles>
